<compile_context>
chip_gen: v7x
topology: tpu7x:2x2x1
jax: 0.10.2.dev20260603
libtpu: 0.0.44.dev20260713+nightly
codegen_flags: <defaults>
</compile_context>

<pallas_src>
import functools

import jax
import jax.numpy as jnp
from jax import lax
from jax.experimental import pallas as pl
from jax.experimental.pallas import tpu as pltpu
from jax.experimental.pallas import tpu_sc as plsc

_B = 256
_SPLIT = 96
_NBUF_A = 6
_NBUF_B = 4
_CHUNK = 4


def _make_coeff_gather():
    info = plsc.get_sparse_core_info()
    nc, ns = info.num_cores, info.num_subcores
    bpw = _B // ns

    mesh = plsc.VectorSubcoreMesh(core_axis_name="c", subcore_axis_name="s", num_cores=1)

    @functools.partial(
        pl.kernel,
        mesh=mesh,
        out_type=(
            jax.ShapeDtypeStruct((_B,), jnp.float32),
            jax.ShapeDtypeStruct((_B,), jnp.float32),
        ),
        scratch_types=[
            pltpu.VMEM((bpw,), jnp.int32),
            pltpu.VMEM((bpw,), jnp.float32),
            pltpu.VMEM((bpw,), jnp.float32),
            pltpu.SemaphoreType.DMA,
            pltpu.SemaphoreType.DMA,
        ],
    )
    def gather(t_hbm, sac_hbm, somac_hbm, a_out, b_out, idx_v, a_v, b_v,
               sem_a, sem_b):
        @pl.when(lax.axis_index("c") == 0)
        def _():
            base = lax.axis_index("s") * bpw
            pltpu.sync_copy(t_hbm.at[pl.ds(base, bpw)], idx_v)
            ca = pltpu.async_copy(sac_hbm.at[idx_v], a_v, sem_a)
            cb = pltpu.async_copy(somac_hbm.at[idx_v], b_v, sem_b)
            ca.wait()
            cb.wait()
            pltpu.sync_copy(a_v, a_out.at[pl.ds(base, bpw)])
            pltpu.sync_copy(b_v, b_out.at[pl.ds(base, bpw)])

    return gather


_coeff_gather = _make_coeff_gather()


def _make_stream_body(row0, nrows, inline_gather, nbuf):
    nchunks = nrows // _CHUNK
    assert nchunks >= nbuf

    def body(*refs):
        if inline_gather:
            t_sm, sac_sm, somac_sm, x_hbm, n_hbm, o_hbm = refs[:6]
            xb, nb, ob, in_sems, out_sems = refs[6:]

            def coeff(row):
                tt = t_sm[row]
                return sac_sm[tt], somac_sm[tt]
        else:
            a_sm, b_sm, x_hbm, n_hbm, _o_in, o_hbm = refs[:6]
            xb, nb, ob, in_sems, out_sems = refs[6:]

            def coeff(row):
                return a_sm[row], b_sm[row]

        def start_in(chunk, slot):
            r = row0 + chunk * _CHUNK
            pltpu.make_async_copy(
                x_hbm.at[pl.ds(r, _CHUNK)], xb.at[slot],
                in_sems.at[slot, 0]).start()
            pltpu.make_async_copy(
                n_hbm.at[pl.ds(r, _CHUNK)], nb.at[slot],
                in_sems.at[slot, 1]).start()

        for s in range(nbuf):
            start_in(s, s)

        def step(i, _):
            s = lax.rem(i, nbuf)
            r = row0 + i * _CHUNK

            @pl.when(i >= nbuf)
            def _():
                pltpu.make_async_copy(
                    ob.at[s],
                    o_hbm.at[pl.ds(row0 + (i - nbuf) * _CHUNK, _CHUNK)],
                    out_sems.at[s]).wait()

            pltpu.make_async_copy(
                x_hbm.at[pl.ds(r, _CHUNK)], xb.at[s], in_sems.at[s, 0]).wait()
            pltpu.make_async_copy(
                n_hbm.at[pl.ds(r, _CHUNK)], nb.at[s], in_sems.at[s, 1]).wait()
            for j in range(_CHUNK):
                a, b = coeff(r + j)
                ob[s, j] = a * xb[s, j] + b * nb[s, j]
            pltpu.make_async_copy(
                ob.at[s], o_hbm.at[pl.ds(r, _CHUNK)], out_sems.at[s]).start()

            @pl.when(i + nbuf < nchunks)
            def _():
                start_in(i + nbuf, s)

            return 0

        lax.fori_loop(0, nchunks, step, 0)
        for k in range(nbuf):
            i = nchunks - nbuf + k
            pltpu.make_async_copy(
                ob.at[i % nbuf],
                o_hbm.at[pl.ds(row0 + i * _CHUNK, _CHUNK)],
                out_sems.at[i % nbuf]).wait()

    return body


def _scratch_shapes(c, h, w, nbuf):
    return [
        pltpu.VMEM((nbuf, _CHUNK, c, h, w), jnp.float32),
        pltpu.VMEM((nbuf, _CHUNK, c, h, w), jnp.float32),
        pltpu.VMEM((nbuf, _CHUNK, c, h, w), jnp.float32),
        pltpu.SemaphoreType.DMA((nbuf, 2)),
        pltpu.SemaphoreType.DMA((nbuf,)),
    ]


@jax.jit
def kernel(x_start, noise, t, sqrt_alphas_cumprod, sqrt_one_minus_alphas_cumprod):
    c, h, w = x_start.shape[1:]
    out_sds = jax.ShapeDtypeStruct(x_start.shape, jnp.float32)
    t32 = t.astype(jnp.int32)

    a_vec, b_vec = _coeff_gather(
        t32, sqrt_alphas_cumprod, sqrt_one_minus_alphas_cumprod)

    out_a = pl.pallas_call(
        _make_stream_body(_SPLIT, _B - _SPLIT, True, _NBUF_A),
        in_specs=[
            pl.BlockSpec(memory_space=pltpu.SMEM),
            pl.BlockSpec(memory_space=pltpu.SMEM),
            pl.BlockSpec(memory_space=pltpu.SMEM),
            pl.BlockSpec(memory_space=pltpu.HBM),
            pl.BlockSpec(memory_space=pltpu.HBM),
        ],
        out_specs=pl.BlockSpec(memory_space=pltpu.HBM),
        out_shape=out_sds,
        scratch_shapes=_scratch_shapes(c, h, w, _NBUF_A),
    )(t32, sqrt_alphas_cumprod, sqrt_one_minus_alphas_cumprod, x_start, noise)

    return pl.pallas_call(
        _make_stream_body(0, _SPLIT, False, _NBUF_B),
        in_specs=[
            pl.BlockSpec(memory_space=pltpu.SMEM),
            pl.BlockSpec(memory_space=pltpu.SMEM),
            pl.BlockSpec(memory_space=pltpu.HBM),
            pl.BlockSpec(memory_space=pltpu.HBM),
            pl.BlockSpec(memory_space=pltpu.HBM),
        ],
        out_specs=pl.BlockSpec(memory_space=pltpu.HBM),
        out_shape=out_sds,
        input_output_aliases={4: 0},
        scratch_shapes=_scratch_shapes(c, h, w, _NBUF_B),
    )(a_vec, b_vec, x_start, noise, out_a)

# --- scband reference (transcript-rebuilt; emitter-appended) ---
"""Pipeline reference for scband-noise-scheduler-2551210573825 (READ-ONLY COPY).

The authoritative reference and input builder live on the scoring server;
editing this copy changes nothing except your own understanding.
"""

import jax, jax.numpy as jnp
import numpy as np

TIMESTEPS = 1000

def _cosine_buffers(timesteps=TIMESTEPS, s=0.008):
    steps = timesteps + 1
    x = np.linspace(0, timesteps, steps, dtype=np.float64)
    alphas_cumprod = np.cos((x / timesteps + s) / (1 + s) * np.pi * 0.5) ** 2
    alphas_cumprod = alphas_cumprod / alphas_cumprod[0]
    betas = 1.0 - alphas_cumprod[1:] / alphas_cumprod[:-1]
    betas = np.clip(betas, 0, 0.999)
    alphas = 1.0 - betas
    acp = np.cumprod(alphas, axis=0)
    sqrt_alphas_cumprod = np.sqrt(acp).astype(np.float32)
    sqrt_one_minus_alphas_cumprod = np.sqrt(1.0 - acp).astype(np.float32)
    return sqrt_alphas_cumprod, sqrt_one_minus_alphas_cumprod

def setup_inputs(seed: int = 0) -> dict:
    key = jax.random.key(seed)
    k1, k2, k3 = jax.random.split(key, 3)
    x_start = jax.random.normal(k1, (256, 4, 128, 128), dtype=jnp.float32)
    noise = jax.random.normal(k2, (256, 4, 128, 128), dtype=jnp.float32)
    t = jax.random.randint(k3, (256,), 0, TIMESTEPS, dtype=jnp.int64 if jax.config.jax_enable_x64 else jnp.int32)
    sac, somac = _cosine_buffers()
    return {
        "x_start": x_start,
        "noise": noise,
        "t": t,
        "sqrt_alphas_cumprod": jnp.asarray(sac),
        "sqrt_one_minus_alphas_cumprod": jnp.asarray(somac),
    }

def _extract(a, t, ndim):
    out = jnp.take(a, t, axis=0)
    return out.reshape(out.shape[0], *([1] * (ndim - 1)))

def reference(x_start, noise, t, sqrt_alphas_cumprod, sqrt_one_minus_alphas_cumprod):
    # NoiseScheduler.q_sample: gather per-timestep coefficients and blend x_start with noise
    a = _extract(sqrt_alphas_cumprod, t, x_start.ndim)
    b = _extract(sqrt_one_minus_alphas_cumprod, t, x_start.ndim)
    return a * x_start + b * noise

if __name__ == "__main__":
    import jax
    _d = setup_inputs()
    print(jax.jit(kernel)(*tuple(_d.values())))

</pallas_src>

<mosaic_0001>
#map = affine_map<(d0, d1) -> (0)>
module attributes {stable_mosaic.version = 14 : i64} {
  func.func @gather(%arg0: i32, %arg1: i32, %arg2: memref<256xi32, #tpu.memory_space<hbm>>, %arg3: memref<1000xf32, #tpu.memory_space<hbm>>, %arg4: memref<1000xf32, #tpu.memory_space<hbm>>, %arg5: memref<256xf32, #tpu.memory_space<hbm>>, %arg6: memref<256xf32, #tpu.memory_space<hbm>>, %arg7: memref<16xi32, #tpu.memory_space<vmem>>, %arg8: memref<16xf32, #tpu.memory_space<vmem>>, %arg9: memref<16xf32, #tpu.memory_space<vmem>>, %arg10: memref<!tpu.dma_semaphore, #tpu.memory_space<semaphore_mem>>, %arg11: memref<!tpu.dma_semaphore, #tpu.memory_space<semaphore_mem>>) attributes {dimension_semantics = [#tpu.dimension_semantics<core_parallel>, #tpu.dimension_semantics<subcore_parallel>], iteration_bounds = array<i64: 1, 16>, scalar_prefetch = 0 : i64, scratch_operands = 5 : i64, tpu.core_type = #tpu.core_type<sc_vector_subcore>, window_params = [{transform_indices = #map}, {transform_indices = #map}, {transform_indices = #map}, {transform_indices = #map}, {transform_indices = #map}]} {
    %eq3A = arith.constant 0 : i32
    %eq3A_0 = arith.cmpi eq, %arg0, %eq3A : i32
    %convert_element_type3A = arith.extui %eq3A_0 : i1 to i32
    %cond3A = arith.constant 0 : i32
    %cond3A_1 = arith.cmpi ne, %convert_element_type3A, %cond3A : i32
    scf.if %cond3A_1 {
      %mul3A = arith.constant 16 : i32
      %mul3A_2 = arith.muli %arg1, %mul3A : i32
      "tpu.region"() ({
        %run_scoped3A = tpu.sem_alloc : memref<!tpu.dma_semaphore, #tpu.memory_space<semaphore_mem>>
        %dma_start3A_9 = tpu.memref_slice %arg2[%mul3A_2] : memref<256xi32, #tpu.memory_space<hbm>> -> memref<16xi32, #tpu.memory_space<hbm>>
        %dma_start3A_10 = tpu.memref_slice %arg2[%mul3A_2] : memref<256xi32, #tpu.memory_space<hbm>> -> memref<16xi32, #tpu.memory_space<hbm>>
        tpu.enqueue_dma source(%dma_start3A_10 : memref<16xi32, #tpu.memory_space<hbm>>) target(%arg7 : memref<16xi32, #tpu.memory_space<vmem>>) target_semaphore(%run_scoped3A : memref<!tpu.dma_semaphore, #tpu.memory_space<semaphore_mem>>)
        %dma_wait3A_11 = tpu.memref_slice %arg2[%mul3A_2] : memref<256xi32, #tpu.memory_space<hbm>> -> memref<16xi32, #tpu.memory_space<hbm>>
        %dma_wait3A_12 = tpu.memref_slice %arg2[%mul3A_2] : memref<256xi32, #tpu.memory_space<hbm>> -> memref<16xi32, #tpu.memory_space<hbm>>
        tpu.wait_dma2 semaphore(%run_scoped3A : memref<!tpu.dma_semaphore, #tpu.memory_space<semaphore_mem>>) src(%dma_wait3A_12 : memref<16xi32, #tpu.memory_space<hbm>>) dst(%arg7 : memref<16xi32, #tpu.memory_space<vmem>>)
        tpu.yield
      }) : () -> ()
      %dma_start3A = arith.constant 0 : i32
      %dma_start3A_3 = tpu.memref_slice %arg3[%dma_start3A] : memref<1000xf32, #tpu.memory_space<hbm>> -> memref<1000xf32, #tpu.memory_space<hbm>>
      tpu.enqueue_indirect_dma source(%dma_start3A_3 : memref<1000xf32, #tpu.memory_space<hbm>>) target(%arg8 : memref<16xf32, #tpu.memory_space<vmem>>) offsets(%arg7 : memref<16xi32, #tpu.memory_space<vmem>>) semaphore(%arg10 : memref<!tpu.dma_semaphore, #tpu.memory_space<semaphore_mem>>)
      %dma_start3A_4 = arith.constant 0 : i32
      %dma_start3A_5 = tpu.memref_slice %arg4[%dma_start3A_4] : memref<1000xf32, #tpu.memory_space<hbm>> -> memref<1000xf32, #tpu.memory_space<hbm>>
      tpu.enqueue_indirect_dma source(%dma_start3A_5 : memref<1000xf32, #tpu.memory_space<hbm>>) target(%arg9 : memref<16xf32, #tpu.memory_space<vmem>>) offsets(%arg7 : memref<16xi32, #tpu.memory_space<vmem>>) semaphore(%arg11 : memref<!tpu.dma_semaphore, #tpu.memory_space<semaphore_mem>>)
      %dma_wait3A = arith.constant 0 : i32
      %dma_wait3A_6 = tpu.memref_slice %arg3[%dma_wait3A] : memref<1000xf32, #tpu.memory_space<hbm>> -> memref<1000xf32, #tpu.memory_space<hbm>>
      tpu.wait_indirect_dma semaphore(%arg10 : memref<!tpu.dma_semaphore, #tpu.memory_space<semaphore_mem>>) src(%dma_wait3A_6 : memref<1000xf32, #tpu.memory_space<hbm>>) dst(%arg8 : memref<16xf32, #tpu.memory_space<vmem>>)
      %dma_wait3A_7 = arith.constant 0 : i32
      %dma_wait3A_8 = tpu.memref_slice %arg4[%dma_wait3A_7] : memref<1000xf32, #tpu.memory_space<hbm>> -> memref<1000xf32, #tpu.memory_space<hbm>>
      tpu.wait_indirect_dma semaphore(%arg11 : memref<!tpu.dma_semaphore, #tpu.memory_space<semaphore_mem>>) src(%dma_wait3A_8 : memref<1000xf32, #tpu.memory_space<hbm>>) dst(%arg9 : memref<16xf32, #tpu.memory_space<vmem>>)
      "tpu.region"() ({
        %run_scoped3A = tpu.sem_alloc : memref<!tpu.dma_semaphore, #tpu.memory_space<semaphore_mem>>
        %dma_start3A_9 = tpu.memref_slice %arg5[%mul3A_2] : memref<256xf32, #tpu.memory_space<hbm>> -> memref<16xf32, #tpu.memory_space<hbm>>
        %dma_start3A_10 = tpu.memref_slice %arg5[%mul3A_2] : memref<256xf32, #tpu.memory_space<hbm>> -> memref<16xf32, #tpu.memory_space<hbm>>
        tpu.enqueue_dma source(%arg8 : memref<16xf32, #tpu.memory_space<vmem>>) target(%dma_start3A_10 : memref<16xf32, #tpu.memory_space<hbm>>) target_semaphore(%run_scoped3A : memref<!tpu.dma_semaphore, #tpu.memory_space<semaphore_mem>>)
        %dma_wait3A_11 = tpu.memref_slice %arg5[%mul3A_2] : memref<256xf32, #tpu.memory_space<hbm>> -> memref<16xf32, #tpu.memory_space<hbm>>
        %dma_wait3A_12 = tpu.memref_slice %arg5[%mul3A_2] : memref<256xf32, #tpu.memory_space<hbm>> -> memref<16xf32, #tpu.memory_space<hbm>>
        tpu.wait_dma2 semaphore(%run_scoped3A : memref<!tpu.dma_semaphore, #tpu.memory_space<semaphore_mem>>) src(%arg8 : memref<16xf32, #tpu.memory_space<vmem>>) dst(%dma_wait3A_12 : memref<16xf32, #tpu.memory_space<hbm>>)
        tpu.yield
      }) : () -> ()
      "tpu.region"() ({
        %run_scoped3A = tpu.sem_alloc : memref<!tpu.dma_semaphore, #tpu.memory_space<semaphore_mem>>
        %dma_start3A_9 = tpu.memref_slice %arg6[%mul3A_2] : memref<256xf32, #tpu.memory_space<hbm>> -> memref<16xf32, #tpu.memory_space<hbm>>
        %dma_start3A_10 = tpu.memref_slice %arg6[%mul3A_2] : memref<256xf32, #tpu.memory_space<hbm>> -> memref<16xf32, #tpu.memory_space<hbm>>
        tpu.enqueue_dma source(%arg9 : memref<16xf32, #tpu.memory_space<vmem>>) target(%dma_start3A_10 : memref<16xf32, #tpu.memory_space<hbm>>) target_semaphore(%run_scoped3A : memref<!tpu.dma_semaphore, #tpu.memory_space<semaphore_mem>>)
        %dma_wait3A_11 = tpu.memref_slice %arg6[%mul3A_2] : memref<256xf32, #tpu.memory_space<hbm>> -> memref<16xf32, #tpu.memory_space<hbm>>
        %dma_wait3A_12 = tpu.memref_slice %arg6[%mul3A_2] : memref<256xf32, #tpu.memory_space<hbm>> -> memref<16xf32, #tpu.memory_space<hbm>>
        tpu.wait_dma2 semaphore(%run_scoped3A : memref<!tpu.dma_semaphore, #tpu.memory_space<semaphore_mem>>) src(%arg9 : memref<16xf32, #tpu.memory_space<vmem>>) dst(%dma_wait3A_12 : memref<16xf32, #tpu.memory_space<hbm>>)
        tpu.yield
      }) : () -> ()
    } else {
    }
    return
  }
}

module attributes {stable_mosaic.version = 14 : i64} {
  func.func @body(%arg0: memref<256xi32, #tpu.memory_space<smem>>, %arg1: memref<1000xf32, #tpu.memory_space<smem>>, %arg2: memref<1000xf32, #tpu.memory_space<smem>>, %arg3: memref<256x4x128x128xf32, #tpu.memory_space<hbm>>, %arg4: memref<256x4x128x128xf32, #tpu.memory_space<hbm>>, %arg5: memref<256x4x128x128xf32, #tpu.memory_space<hbm>>, %arg6: memref<6x4x4x128x128xf32, #tpu.memory_space<vmem>>, %arg7: memref<6x4x4x128x128xf32, #tpu.memory_space<vmem>>, %arg8: memref<6x4x4x128x128xf32, #tpu.memory_space<vmem>>, %arg9: memref<6x2x!tpu.dma_semaphore, #tpu.memory_space<semaphore_mem>>, %arg10: memref<6x!tpu.dma_semaphore, #tpu.memory_space<semaphore_mem>>) attributes {dimension_semantics = [], scalar_prefetch = 0 : i64, scratch_operands = 5 : i64, tpu.core_type = #tpu.core_type<tc>} {
    %dma_start3A = arith.constant 0 : i32
    %dma_start3A_0 = arith.constant 0 : i32
    %dma_start3A_1 = arith.constant 0 : i32
    %dma_start3A_2 = tpu.memref_slice %arg9[%dma_start3A_0, %dma_start3A_1] : memref<6x2x!tpu.dma_semaphore, #tpu.memory_space<semaphore_mem>> -> memref<1x1x!tpu.dma_semaphore, #tpu.memory_space<semaphore_mem>>
    %dma_start3A_3 = tpu.memref_squeeze %dma_start3A_2 : memref<1x1x!tpu.dma_semaphore, #tpu.memory_space<semaphore_mem>> -> memref<!tpu.dma_semaphore, #tpu.memory_space<semaphore_mem>>
    %dma_start3A_4 = arith.constant 0 : i32
    %dma_start3A_5 = arith.constant 0 : i32
    %dma_start3A_6 = arith.constant 0 : i32
    %dma_start3A_7 = arith.constant 0 : i32
    %dma_start3A_8 = tpu.memref_slice %arg6[%dma_start3A, %dma_start3A_4, %dma_start3A_5, %dma_start3A_6, %dma_start3A_7] : memref<6x4x4x128x128xf32, #tpu.memory_space<vmem>> -> memref<1x4x4x128x128xf32, #tpu.memory_space<vmem>>
    %dma_start3A_9 = tpu.memref_squeeze %dma_start3A_8 : memref<1x4x4x128x128xf32, #tpu.memory_space<vmem>> -> memref<4x4x128x128xf32, #tpu.memory_space<vmem>>
    %dma_start3A_10 = arith.constant 96 : i32
    %dma_start3A_11 = arith.constant 0 : i32
    %dma_start3A_12 = arith.constant 0 : i32
    %dma_start3A_13 = arith.constant 0 : i32
    %dma_start3A_14 = tpu.memref_slice %arg3[%dma_start3A_10, %dma_start3A_11, %dma_start3A_12, %dma_start3A_13] : memref<256x4x128x128xf32, #tpu.memory_space<hbm>> -> memref<4x4x128x128xf32, #tpu.memory_space<hbm>>
    tpu.enqueue_dma source(%dma_start3A_14 : memref<4x4x128x128xf32, #tpu.memory_space<hbm>>) target(%dma_start3A_9 : memref<4x4x128x128xf32, #tpu.memory_space<vmem>>) target_semaphore(%dma_start3A_3 : memref<!tpu.dma_semaphore, #tpu.memory_space<semaphore_mem>>)
    %dma_start3A_15 = arith.constant 0 : i32
    %dma_start3A_16 = arith.constant 0 : i32
    %dma_start3A_17 = arith.constant 1 : i32
    %dma_start3A_18 = tpu.memref_slice %arg9[%dma_start3A_16, %dma_start3A_17] : memref<6x2x!tpu.dma_semaphore, #tpu.memory_space<semaphore_mem>> -> memref<1x1x!tpu.dma_semaphore, #tpu.memory_space<semaphore_mem>>
    %dma_start3A_19 = tpu.memref_squeeze %dma_start3A_18 : memref<1x1x!tpu.dma_semaphore, #tpu.memory_space<semaphore_mem>> -> memref<!tpu.dma_semaphore, #tpu.memory_space<semaphore_mem>>
    %dma_start3A_20 = arith.constant 0 : i32
    %dma_start3A_21 = arith.constant 0 : i32
    %dma_start3A_22 = arith.constant 0 : i32
    %dma_start3A_23 = arith.constant 0 : i32
    %dma_start3A_24 = tpu.memref_slice %arg7[%dma_start3A_15, %dma_start3A_20, %dma_start3A_21, %dma_start3A_22, %dma_start3A_23] : memref<6x4x4x128x128xf32, #tpu.memory_space<vmem>> -> memref<1x4x4x128x128xf32, #tpu.memory_space<vmem>>
    %dma_start3A_25 = tpu.memref_squeeze %dma_start3A_24 : memref<1x4x4x128x128xf32, #tpu.memory_space<vmem>> -> memref<4x4x128x128xf32, #tpu.memory_space<vmem>>
    %dma_start3A_26 = arith.constant 96 : i32
    %dma_start3A_27 = arith.constant 0 : i32
    %dma_start3A_28 = arith.constant 0 : i32
    %dma_start3A_29 = arith.constant 0 : i32
    %dma_start3A_30 = tpu.memref_slice %arg4[%dma_start3A_26, %dma_start3A_27, %dma_start3A_28, %dma_start3A_29] : memref<256x4x128x128xf32, #tpu.memory_space<hbm>> -> memref<4x4x128x128xf32, #tpu.memory_space<hbm>>
    tpu.enqueue_dma source(%dma_start3A_30 : memref<4x4x128x128xf32, #tpu.memory_space<hbm>>) target(%dma_start3A_25 : memref<4x4x128x128xf32, #tpu.memory_space<vmem>>) target_semaphore(%dma_start3A_19 : memref<!tpu.dma_semaphore, #tpu.memory_space<semaphore_mem>>)
    %dma_start3A_31 = arith.constant 1 : i32
    %dma_start3A_32 = arith.constant 1 : i32
    %dma_start3A_33 = arith.constant 0 : i32
    %dma_start3A_34 = tpu.memref_slice %arg9[%dma_start3A_32, %dma_start3A_33] : memref<6x2x!tpu.dma_semaphore, #tpu.memory_space<semaphore_mem>> -> memref<1x1x!tpu.dma_semaphore, #tpu.memory_space<semaphore_mem>>
    %dma_start3A_35 = tpu.memref_squeeze %dma_start3A_34 : memref<1x1x!tpu.dma_semaphore, #tpu.memory_space<semaphore_mem>> -> memref<!tpu.dma_semaphore, #tpu.memory_space<semaphore_mem>>
    %dma_start3A_36 = arith.constant 0 : i32
    %dma_start3A_37 = arith.constant 0 : i32
    %dma_start3A_38 = arith.constant 0 : i32
    %dma_start3A_39 = arith.constant 0 : i32
    %dma_start3A_40 = tpu.memref_slice %arg6[%dma_start3A_31, %dma_start3A_36, %dma_start3A_37, %dma_start3A_38, %dma_start3A_39] : memref<6x4x4x128x128xf32, #tpu.memory_space<vmem>> -> memref<1x4x4x128x128xf32, #tpu.memory_space<vmem>>
    %dma_start3A_41 = tpu.memref_squeeze %dma_start3A_40 : memref<1x4x4x128x128xf32, #tpu.memory_space<vmem>> -> memref<4x4x128x128xf32, #tpu.memory_space<vmem>>
    %dma_start3A_42 = arith.constant 100 : i32
    %dma_start3A_43 = arith.constant 0 : i32
    %dma_start3A_44 = arith.constant 0 : i32
    %dma_start3A_45 = arith.constant 0 : i32
    %dma_start3A_46 = tpu.memref_slice %arg3[%dma_start3A_42, %dma_start3A_43, %dma_start3A_44, %dma_start3A_45] : memref<256x4x128x128xf32, #tpu.memory_space<hbm>> -> memref<4x4x128x128xf32, #tpu.memory_space<hbm>>
    tpu.enqueue_dma source(%dma_start3A_46 : memref<4x4x128x128xf32, #tpu.memory_space<hbm>>) target(%dma_start3A_41 : memref<4x4x128x128xf32, #tpu.memory_space<vmem>>) target_semaphore(%dma_start3A_35 : memref<!tpu.dma_semaphore, #tpu.memory_space<semaphore_mem>>)
    %dma_start3A_47 = arith.constant 1 : i32
    %dma_start3A_48 = arith.constant 1 : i32
    %dma_start3A_49 = arith.constant 1 : i32
    %dma_start3A_50 = tpu.memref_slice %arg9[%dma_start3A_48, %dma_start3A_49] : memref<6x2x!tpu.dma_semaphore, #tpu.memory_space<semaphore_mem>> -> memref<1x1x!tpu.dma_semaphore, #tpu.memory_space<semaphore_mem>>
    %dma_start3A_51 = tpu.memref_squeeze %dma_start3A_50 : memref<1x1x!tpu.dma_semaphore, #tpu.memory_space<semaphore_mem>> -> memref<!tpu.dma_semaphore, #tpu.memory_space<semaphore_mem>>
    %dma_start3A_52 = arith.constant 0 : i32
    %dma_start3A_53 = arith.constant 0 : i32
    %dma_start3A_54 = arith.constant 0 : i32
    %dma_start3A_55 = arith.constant 0 : i32
    %dma_start3A_56 = tpu.memref_slice %arg7[%dma_start3A_47, %dma_start3A_52, %dma_start3A_53, %dma_start3A_54, %dma_start3A_55] : memref<6x4x4x128x128xf32, #tpu.memory_space<vmem>> -> memref<1x4x4x128x128xf32, #tpu.memory_space<vmem>>
    %dma_start3A_57 = tpu.memref_squeeze %dma_start3A_56 : memref<1x4x4x128x128xf32, #tpu.memory_space<vmem>> -> memref<4x4x128x128xf32, #tpu.memory_space<vmem>>
    %dma_start3A_58 = arith.constant 100 : i32
    %dma_start3A_59 = arith.constant 0 : i32
    %dma_start3A_60 = arith.constant 0 : i32
    %dma_start3A_61 = arith.constant 0 : i32
    %dma_start3A_62 = tpu.memref_slice %arg4[%dma_start3A_58, %dma_start3A_59, %dma_start3A_60, %dma_start3A_61] : memref<256x4x128x128xf32, #tpu.memory_space<hbm>> -> memref<4x4x128x128xf32, #tpu.memory_space<hbm>>
    tpu.enqueue_dma source(%dma_start3A_62 : memref<4x4x128x128xf32, #tpu.memory_space<hbm>>) target(%dma_start3A_57 : memref<4x4x128x128xf32, #tpu.memory_space<vmem>>) target_semaphore(%dma_start3A_51 : memref<!tpu.dma_semaphore, #tpu.memory_space<semaphore_mem>>)
    %dma_start3A_63 = arith.constant 2 : i32
    %dma_start3A_64 = arith.constant 2 : i32
    %dma_start3A_65 = arith.constant 0 : i32
    %dma_start3A_66 = tpu.memref_slice %arg9[%dma_start3A_64, %dma_start3A_65] : memref<6x2x!tpu.dma_semaphore, #tpu.memory_space<semaphore_mem>> -> memref<1x1x!tpu.dma_semaphore, #tpu.memory_space<semaphore_mem>>
    %dma_start3A_67 = tpu.memref_squeeze %dma_start3A_66 : memref<1x1x!tpu.dma_semaphore, #tpu.memory_space<semaphore_mem>> -> memref<!tpu.dma_semaphore, #tpu.memory_space<semaphore_mem>>
    %dma_start3A_68 = arith.constant 0 : i32
    %dma_start3A_69 = arith.constant 0 : i32
    %dma_start3A_70 = arith.constant 0 : i32
    %dma_start3A_71 = arith.constant 0 : i32
    %dma_start3A_72 = tpu.memref_slice %arg6[%dma_start3A_63, %dma_start3A_68, %dma_start3A_69, %dma_start3A_70, %dma_start3A_71] : memref<6x4x4x128x128xf32, #tpu.memory_space<vmem>> -> memref<1x4x4x128x128xf32, #tpu.memory_space<vmem>>
    %dma_start3A_73 = tpu.memref_squeeze %dma_start3A_72 : memref<1x4x4x128x128xf32, #tpu.memory_space<vmem>> -> memref<4x4x128x128xf32, #tpu.memory_space<vmem>>
    %dma_start3A_74 = arith.constant 104 : i32
    %dma_start3A_75 = arith.constant 0 : i32
    %dma_start3A_76 = arith.constant 0 : i32
    %dma_start3A_77 = arith.constant 0 : i32
    %dma_start3A_78 = tpu.memref_slice %arg3[%dma_start3A_74, %dma_start3A_75, %dma_start3A_76, %dma_start3A_77] : memref<256x4x128x128xf32, #tpu.memory_space<hbm>> -> memref<4x4x128x128xf32, #tpu.memory_space<hbm>>
    tpu.enqueue_dma source(%dma_start3A_78 : memref<4x4x128x128xf32, #tpu.memory_space<hbm>>) target(%dma_start3A_73 : memref<4x4x128x128xf32, #tpu.memory_space<vmem>>) target_semaphore(%dma_start3A_67 : memref<!tpu.dma_semaphore, #tpu.memory_space<semaphore_mem>>)
    %dma_start3A_79 = arith.constant 2 : i32
    %dma_start3A_80 = arith.constant 2 : i32
    %dma_start3A_81 = arith.constant 1 : i32
    %dma_start3A_82 = tpu.memref_slice %arg9[%dma_start3A_80, %dma_start3A_81] : memref<6x2x!tpu.dma_semaphore, #tpu.memory_space<semaphore_mem>> -> memref<1x1x!tpu.dma_semaphore, #tpu.memory_space<semaphore_mem>>
    %dma_start3A_83 = tpu.memref_squeeze %dma_start3A_82 : memref<1x1x!tpu.dma_semaphore, #tpu.memory_space<semaphore_mem>> -> memref<!tpu.dma_semaphore, #tpu.memory_space<semaphore_mem>>
    %dma_start3A_84 = arith.constant 0 : i32
    %dma_start3A_85 = arith.constant 0 : i32
    %dma_start3A_86 = arith.constant 0 : i32
    %dma_start3A_87 = arith.constant 0 : i32
    %dma_start3A_88 = tpu.memref_slice %arg7[%dma_start3A_79, %dma_start3A_84, %dma_start3A_85, %dma_start3A_86, %dma_start3A_87] : memref<6x4x4x128x128xf32, #tpu.memory_space<vmem>> -> memref<1x4x4x128x128xf32, #tpu.memory_space<vmem>>
    %dma_start3A_89 = tpu.memref_squeeze %dma_start3A_88 : memref<1x4x4x128x128xf32, #tpu.memory_space<vmem>> -> memref<4x4x128x128xf32, #tpu.memory_space<vmem>>
    %dma_start3A_90 = arith.constant 104 : i32
    %dma_start3A_91 = arith.constant 0 : i32
    %dma_start3A_92 = arith.constant 0 : i32
    %dma_start3A_93 = arith.constant 0 : i32
    %dma_start3A_94 = tpu.memref_slice %arg4[%dma_start3A_90, %dma_start3A_91, %dma_start3A_92, %dma_start3A_93] : memref<256x4x128x128xf32, #tpu.memory_space<hbm>> -> memref<4x4x128x128xf32, #tpu.memory_space<hbm>>
    tpu.enqueue_dma source(%dma_start3A_94 : memref<4x4x128x128xf32, #tpu.memory_space<hbm>>) target(%dma_start3A_89 : memref<4x4x128x128xf32, #tpu.memory_space<vmem>>) target_semaphore(%dma_start3A_83 : memref<!tpu.dma_semaphore, #tpu.memory_space<semaphore_mem>>)
    %dma_start3A_95 = arith.constant 3 : i32
    %dma_start3A_96 = arith.constant 3 : i32
    %dma_start3A_97 = arith.constant 0 : i32
    %dma_start3A_98 = tpu.memref_slice %arg9[%dma_start3A_96, %dma_start3A_97] : memref<6x2x!tpu.dma_semaphore, #tpu.memory_space<semaphore_mem>> -> memref<1x1x!tpu.dma_semaphore, #tpu.memory_space<semaphore_mem>>
    %dma_start3A_99 = tpu.memref_squeeze %dma_start3A_98 : memref<1x1x!tpu.dma_semaphore, #tpu.memory_space<semaphore_mem>> -> memref<!tpu.dma_semaphore, #tpu.memory_space<semaphore_mem>>
    %dma_start3A_100 = arith.constant 0 : i32
    %dma_start3A_101 = arith.constant 0 : i32
    %dma_start3A_102 = arith.constant 0 : i32
    %dma_start3A_103 = arith.constant 0 : i32
    %dma_start3A_104 = tpu.memref_slice %arg6[%dma_start3A_95, %dma_start3A_100, %dma_start3A_101, %dma_start3A_102, %dma_start3A_103] : memref<6x4x4x128x128xf32, #tpu.memory_space<vmem>> -> memref<1x4x4x128x128xf32, #tpu.memory_space<vmem>>
    %dma_start3A_105 = tpu.memref_squeeze %dma_start3A_104 : memref<1x4x4x128x128xf32, #tpu.memory_space<vmem>> -> memref<4x4x128x128xf32, #tpu.memory_space<vmem>>
    %dma_start3A_106 = arith.constant 108 : i32
    %dma_start3A_107 = arith.constant 0 : i32
    %dma_start3A_108 = arith.constant 0 : i32
    %dma_start3A_109 = arith.constant 0 : i32
    %dma_start3A_110 = tpu.memref_slice %arg3[%dma_start3A_106, %dma_start3A_107, %dma_start3A_108, %dma_start3A_109] : memref<256x4x128x128xf32, #tpu.memory_space<hbm>> -> memref<4x4x128x128xf32, #tpu.memory_space<hbm>>
    tpu.enqueue_dma source(%dma_start3A_110 : memref<4x4x128x128xf32, #tpu.memory_space<hbm>>) target(%dma_start3A_105 : memref<4x4x128x128xf32, #tpu.memory_space<vmem>>) target_semaphore(%dma_start3A_99 : memref<!tpu.dma_semaphore, #tpu.memory_space<semaphore_mem>>)
    %dma_start3A_111 = arith.constant 3 : i32
    %dma_start3A_112 = arith.constant 3 : i32
    %dma_start3A_113 = arith.constant 1 : i32
    %dma_start3A_114 = tpu.memref_slice %arg9[%dma_start3A_112, %dma_start3A_113] : memref<6x2x!tpu.dma_semaphore, #tpu.memory_space<semaphore_mem>> -> memref<1x1x!tpu.dma_semaphore, #tpu.memory_space<semaphore_mem>>
    %dma_start3A_115 = tpu.memref_squeeze %dma_start3A_114 : memref<1x1x!tpu.dma_semaphore, #tpu.memory_space<semaphore_mem>> -> memref<!tpu.dma_semaphore, #tpu.memory_space<semaphore_mem>>
    %dma_start3A_116 = arith.constant 0 : i32
    %dma_start3A_117 = arith.constant 0 : i32
    %dma_start3A_118 = arith.constant 0 : i32
    %dma_start3A_119 = arith.constant 0 : i32
    %dma_start3A_120 = tpu.memref_slice %arg7[%dma_start3A_111, %dma_start3A_116, %dma_start3A_117, %dma_start3A_118, %dma_start3A_119] : memref<6x4x4x128x128xf32, #tpu.memory_space<vmem>> -> memref<1x4x4x128x128xf32, #tpu.memory_space<vmem>>
    %dma_start3A_121 = tpu.memref_squeeze %dma_start3A_120 : memref<1x4x4x128x128xf32, #tpu.memory_space<vmem>> -> memref<4x4x128x128xf32, #tpu.memory_space<vmem>>
    %dma_start3A_122 = arith.constant 108 : i32
    %dma_start3A_123 = arith.constant 0 : i32
    %dma_start3A_124 = arith.constant 0 : i32
    %dma_start3A_125 = arith.constant 0 : i32
    %dma_start3A_126 = tpu.memref_slice %arg4[%dma_start3A_122, %dma_start3A_123, %dma_start3A_124, %dma_start3A_125] : memref<256x4x128x128xf32, #tpu.memory_space<hbm>> -> memref<4x4x128x128xf32, #tpu.memory_space<hbm>>
    tpu.enqueue_dma source(%dma_start3A_126 : memref<4x4x128x128xf32, #tpu.memory_space<hbm>>) target(%dma_start3A_121 : memref<4x4x128x128xf32, #tpu.memory_space<vmem>>) target_semaphore(%dma_start3A_115 : memref<!tpu.dma_semaphore, #tpu.memory_space<semaphore_mem>>)
    %dma_start3A_127 = arith.constant 4 : i32
    %dma_start3A_128 = arith.constant 4 : i32
    %dma_start3A_129 = arith.constant 0 : i32
    %dma_start3A_130 = tpu.memref_slice %arg9[%dma_start3A_128, %dma_start3A_129] : memref<6x2x!tpu.dma_semaphore, #tpu.memory_space<semaphore_mem>> -> memref<1x1x!tpu.dma_semaphore, #tpu.memory_space<semaphore_mem>>
    %dma_start3A_131 = tpu.memref_squeeze %dma_start3A_130 : memref<1x1x!tpu.dma_semaphore, #tpu.memory_space<semaphore_mem>> -> memref<!tpu.dma_semaphore, #tpu.memory_space<semaphore_mem>>
    %dma_start3A_132 = arith.constant 0 : i32
    %dma_start3A_133 = arith.constant 0 : i32
    %dma_start3A_134 = arith.constant 0 : i32
    %dma_start3A_135 = arith.constant 0 : i32
    %dma_start3A_136 = tpu.memref_slice %arg6[%dma_start3A_127, %dma_start3A_132, %dma_start3A_133, %dma_start3A_134, %dma_start3A_135] : memref<6x4x4x128x128xf32, #tpu.memory_space<vmem>> -> memref<1x4x4x128x128xf32, #tpu.memory_space<vmem>>
    %dma_start3A_137 = tpu.memref_squeeze %dma_start3A_136 : memref<1x4x4x128x128xf32, #tpu.memory_space<vmem>> -> memref<4x4x128x128xf32, #tpu.memory_space<vmem>>
    %dma_start3A_138 = arith.constant 112 : i32
    %dma_start3A_139 = arith.constant 0 : i32
    %dma_start3A_140 = arith.constant 0 : i32
    %dma_start3A_141 = arith.constant 0 : i32
    %dma_start3A_142 = tpu.memref_slice %arg3[%dma_start3A_138, %dma_start3A_139, %dma_start3A_140, %dma_start3A_141] : memref<256x4x128x128xf32, #tpu.memory_space<hbm>> -> memref<4x4x128x128xf32, #tpu.memory_space<hbm>>
    tpu.enqueue_dma source(%dma_start3A_142 : memref<4x4x128x128xf32, #tpu.memory_space<hbm>>) target(%dma_start3A_137 : memref<4x4x128x128xf32, #tpu.memory_space<vmem>>) target_semaphore(%dma_start3A_131 : memref<!tpu.dma_semaphore, #tpu.memory_space<semaphore_mem>>)
    %dma_start3A_143 = arith.constant 4 : i32
    %dma_start3A_144 = arith.constant 4 : i32
    %dma_start3A_145 = arith.constant 1 : i32
    %dma_start3A_146 = tpu.memref_slice %arg9[%dma_start3A_144, %dma_start3A_145] : memref<6x2x!tpu.dma_semaphore, #tpu.memory_space<semaphore_mem>> -> memref<1x1x!tpu.dma_semaphore, #tpu.memory_space<semaphore_mem>>
    %dma_start3A_147 = tpu.memref_squeeze %dma_start3A_146 : memref<1x1x!tpu.dma_semaphore, #tpu.memory_space<semaphore_mem>> -> memref<!tpu.dma_semaphore, #tpu.memory_space<semaphore_mem>>
    %dma_start3A_148 = arith.constant 0 : i32
    %dma_start3A_149 = arith.constant 0 : i32
    %dma_start3A_150 = arith.constant 0 : i32
    %dma_start3A_151 = arith.constant 0 : i32
    %dma_start3A_152 = tpu.memref_slice %arg7[%dma_start3A_143, %dma_start3A_148, %dma_start3A_149, %dma_start3A_150, %dma_start3A_151] : memref<6x4x4x128x128xf32, #tpu.memory_space<vmem>> -> memref<1x4x4x128x128xf32, #tpu.memory_space<vmem>>
    %dma_start3A_153 = tpu.memref_squeeze %dma_start3A_152 : memref<1x4x4x128x128xf32, #tpu.memory_space<vmem>> -> memref<4x4x128x128xf32, #tpu.memory_space<vmem>>
    %dma_start3A_154 = arith.constant 112 : i32
    %dma_start3A_155 = arith.constant 0 : i32
    %dma_start3A_156 = arith.constant 0 : i32
    %dma_start3A_157 = arith.constant 0 : i32
    %dma_start3A_158 = tpu.memref_slice %arg4[%dma_start3A_154, %dma_start3A_155, %dma_start3A_156, %dma_start3A_157] : memref<256x4x128x128xf32, #tpu.memory_space<hbm>> -> memref<4x4x128x128xf32, #tpu.memory_space<hbm>>
    tpu.enqueue_dma source(%dma_start3A_158 : memref<4x4x128x128xf32, #tpu.memory_space<hbm>>) target(%dma_start3A_153 : memref<4x4x128x128xf32, #tpu.memory_space<vmem>>) target_semaphore(%dma_start3A_147 : memref<!tpu.dma_semaphore, #tpu.memory_space<semaphore_mem>>)
    %dma_start3A_159 = arith.constant 5 : i32
    %dma_start3A_160 = arith.constant 5 : i32
    %dma_start3A_161 = arith.constant 0 : i32
    %dma_start3A_162 = tpu.memref_slice %arg9[%dma_start3A_160, %dma_start3A_161] : memref<6x2x!tpu.dma_semaphore, #tpu.memory_space<semaphore_mem>> -> memref<1x1x!tpu.dma_semaphore, #tpu.memory_space<semaphore_mem>>
    %dma_start3A_163 = tpu.memref_squeeze %dma_start3A_162 : memref<1x1x!tpu.dma_semaphore, #tpu.memory_space<semaphore_mem>> -> memref<!tpu.dma_semaphore, #tpu.memory_space<semaphore_mem>>
    %dma_start3A_164 = arith.constant 0 : i32
    %dma_start3A_165 = arith.constant 0 : i32
    %dma_start3A_166 = arith.constant 0 : i32
    %dma_start3A_167 = arith.constant 0 : i32
    %dma_start3A_168 = tpu.memref_slice %arg6[%dma_start3A_159, %dma_start3A_164, %dma_start3A_165, %dma_start3A_166, %dma_start3A_167] : memref<6x4x4x128x128xf32, #tpu.memory_space<vmem>> -> memref<1x4x4x128x128xf32, #tpu.memory_space<vmem>>
    %dma_start3A_169 = tpu.memref_squeeze %dma_start3A_168 : memref<1x4x4x128x128xf32, #tpu.memory_space<vmem>> -> memref<4x4x128x128xf32, #tpu.memory_space<vmem>>
    %dma_start3A_170 = arith.constant 116 : i32
    %dma_start3A_171 = arith.constant 0 : i32
    %dma_start3A_172 = arith.constant 0 : i32
    %dma_start3A_173 = arith.constant 0 : i32
    %dma_start3A_174 = tpu.memref_slice %arg3[%dma_start3A_170, %dma_start3A_171, %dma_start3A_172, %dma_start3A_173] : memref<256x4x128x128xf32, #tpu.memory_space<hbm>> -> memref<4x4x128x128xf32, #tpu.memory_space<hbm>>
    tpu.enqueue_dma source(%dma_start3A_174 : memref<4x4x128x128xf32, #tpu.memory_space<hbm>>) target(%dma_start3A_169 : memref<4x4x128x128xf32, #tpu.memory_space<vmem>>) target_semaphore(%dma_start3A_163 : memref<!tpu.dma_semaphore, #tpu.memory_space<semaphore_mem>>)
    %dma_start3A_175 = arith.constant 5 : i32
    %dma_start3A_176 = arith.constant 5 : i32
    %dma_start3A_177 = arith.constant 1 : i32
    %dma_start3A_178 = tpu.memref_slice %arg9[%dma_start3A_176, %dma_start3A_177] : memref<6x2x!tpu.dma_semaphore, #tpu.memory_space<semaphore_mem>> -> memref<1x1x!tpu.dma_semaphore, #tpu.memory_space<semaphore_mem>>
    %dma_start3A_179 = tpu.memref_squeeze %dma_start3A_178 : memref<1x1x!tpu.dma_semaphore, #tpu.memory_space<semaphore_mem>> -> memref<!tpu.dma_semaphore, #tpu.memory_space<semaphore_mem>>
    %dma_start3A_180 = arith.constant 0 : i32
    %dma_start3A_181 = arith.constant 0 : i32
    %dma_start3A_182 = arith.constant 0 : i32
    %dma_start3A_183 = arith.constant 0 : i32
    %dma_start3A_184 = tpu.memref_slice %arg7[%dma_start3A_175, %dma_start3A_180, %dma_start3A_181, %dma_start3A_182, %dma_start3A_183] : memref<6x4x4x128x128xf32, #tpu.memory_space<vmem>> -> memref<1x4x4x128x128xf32, #tpu.memory_space<vmem>>
    %dma_start3A_185 = tpu.memref_squeeze %dma_start3A_184 : memref<1x4x4x128x128xf32, #tpu.memory_space<vmem>> -> memref<4x4x128x128xf32, #tpu.memory_space<vmem>>
    %dma_start3A_186 = arith.constant 116 : i32
    %dma_start3A_187 = arith.constant 0 : i32
    %dma_start3A_188 = arith.constant 0 : i32
    %dma_start3A_189 = arith.constant 0 : i32
    %dma_start3A_190 = tpu.memref_slice %arg4[%dma_start3A_186, %dma_start3A_187, %dma_start3A_188, %dma_start3A_189] : memref<256x4x128x128xf32, #tpu.memory_space<hbm>> -> memref<4x4x128x128xf32, #tpu.memory_space<hbm>>
    tpu.enqueue_dma source(%dma_start3A_190 : memref<4x4x128x128xf32, #tpu.memory_space<hbm>>) target(%dma_start3A_185 : memref<4x4x128x128xf32, #tpu.memory_space<vmem>>) target_semaphore(%dma_start3A_179 : memref<!tpu.dma_semaphore, #tpu.memory_space<semaphore_mem>>)
    %scan3A = arith.constant 0 : i32
    %scan3A_191 = arith.constant 40 : i32
    %scan3A_192 = arith.addi %scan3A, %scan3A_191 : i32
    %scan3A_193 = arith.constant 1 : i32
    scf.for %scan3A_284 = %scan3A to %scan3A_192 step %scan3A_193  : i32 {
      %rem3A = arith.constant 6 : i32
      %rem3A_285 = arith.remsi %scan3A_284, %rem3A : i32
      %mul3A = arith.constant 4 : i32
      %mul3A_286 = arith.muli %scan3A_284, %mul3A : i32
      %add3A = arith.constant 96 : i32
      %add3A_287 = arith.addi %add3A, %mul3A_286 : i32
      %ge3A = arith.constant 6 : i32
      %ge3A_288 = arith.cmpi sge, %scan3A_284, %ge3A : i32
      %convert_element_type3A = arith.extui %ge3A_288 : i1 to i32
      %cond3A = arith.constant 0 : i32
      %cond3A_289 = arith.cmpi ne, %convert_element_type3A, %cond3A : i32
      scf.if %cond3A_289 {
        %sub3A = arith.constant 6 : i32
        %sub3A_472 = arith.subi %scan3A_284, %sub3A : i32
        %mul3A_473 = arith.constant 4 : i32
        %mul3A_474 = arith.muli %sub3A_472, %mul3A_473 : i32
        %add3A_475 = arith.constant 96 : i32
        %add3A_476 = arith.addi %add3A_475, %mul3A_474 : i32
        %dma_wait3A_477 = tpu.memref_slice %arg10[%rem3A_285] : memref<6x!tpu.dma_semaphore, #tpu.memory_space<semaphore_mem>> -> memref<1x!tpu.dma_semaphore, #tpu.memory_space<semaphore_mem>>
        %dma_wait3A_478 = tpu.memref_squeeze %dma_wait3A_477 : memref<1x!tpu.dma_semaphore, #tpu.memory_space<semaphore_mem>> -> memref<!tpu.dma_semaphore, #tpu.memory_space<semaphore_mem>>
        %dma_wait3A_479 = arith.constant 0 : i32
        %dma_wait3A_480 = arith.constant 0 : i32
        %dma_wait3A_481 = arith.constant 0 : i32
        %dma_wait3A_482 = tpu.memref_slice %arg5[%add3A_476, %dma_wait3A_479, %dma_wait3A_480, %dma_wait3A_481] : memref<256x4x128x128xf32, #tpu.memory_space<hbm>> -> memref<4x4x128x128xf32, #tpu.memory_space<hbm>>
        %dma_wait3A_483 = arith.constant 0 : i32
        %dma_wait3A_484 = arith.constant 0 : i32
        %dma_wait3A_485 = arith.constant 0 : i32
        %dma_wait3A_486 = arith.constant 0 : i32
        %dma_wait3A_487 = tpu.memref_slice %arg8[%rem3A_285, %dma_wait3A_483, %dma_wait3A_484, %dma_wait3A_485, %dma_wait3A_486] : memref<6x4x4x128x128xf32, #tpu.memory_space<vmem>> -> memref<1x4x4x128x128xf32, #tpu.memory_space<vmem>>
        %dma_wait3A_488 = tpu.memref_squeeze %dma_wait3A_487 : memref<1x4x4x128x128xf32, #tpu.memory_space<vmem>> -> memref<4x4x128x128xf32, #tpu.memory_space<vmem>>
        tpu.wait_dma2 semaphore(%dma_wait3A_478 : memref<!tpu.dma_semaphore, #tpu.memory_space<semaphore_mem>>) src(%dma_wait3A_488 : memref<4x4x128x128xf32, #tpu.memory_space<vmem>>) dst(%dma_wait3A_482 : memref<4x4x128x128xf32, #tpu.memory_space<hbm>>)
      } else {
      }
      %dma_wait3A_290 = arith.constant 0 : i32
      %dma_wait3A_291 = tpu.memref_slice %arg9[%rem3A_285, %dma_wait3A_290] : memref<6x2x!tpu.dma_semaphore, #tpu.memory_space<semaphore_mem>> -> memref<1x1x!tpu.dma_semaphore, #tpu.memory_space<semaphore_mem>>
      %dma_wait3A_292 = tpu.memref_squeeze %dma_wait3A_291 : memref<1x1x!tpu.dma_semaphore, #tpu.memory_space<semaphore_mem>> -> memref<!tpu.dma_semaphore, #tpu.memory_space<semaphore_mem>>
      %dma_wait3A_293 = arith.constant 0 : i32
      %dma_wait3A_294 = arith.constant 0 : i32
      %dma_wait3A_295 = arith.constant 0 : i32
      %dma_wait3A_296 = arith.constant 0 : i32
      %dma_wait3A_297 = tpu.memref_slice %arg6[%rem3A_285, %dma_wait3A_293, %dma_wait3A_294, %dma_wait3A_295, %dma_wait3A_296] : memref<6x4x4x128x128xf32, #tpu.memory_space<vmem>> -> memref<1x4x4x128x128xf32, #tpu.memory_space<vmem>>
      %dma_wait3A_298 = tpu.memref_squeeze %dma_wait3A_297 : memref<1x4x4x128x128xf32, #tpu.memory_space<vmem>> -> memref<4x4x128x128xf32, #tpu.memory_space<vmem>>
      %dma_wait3A_299 = arith.constant 0 : i32
      %dma_wait3A_300 = arith.constant 0 : i32
      %dma_wait3A_301 = arith.constant 0 : i32
      %dma_wait3A_302 = tpu.memref_slice %arg3[%add3A_287, %dma_wait3A_299, %dma_wait3A_300, %dma_wait3A_301] : memref<256x4x128x128xf32, #tpu.memory_space<hbm>> -> memref<4x4x128x128xf32, #tpu.memory_space<hbm>>
      tpu.wait_dma2 semaphore(%dma_wait3A_292 : memref<!tpu.dma_semaphore, #tpu.memory_space<semaphore_mem>>) src(%dma_wait3A_302 : memref<4x4x128x128xf32, #tpu.memory_space<hbm>>) dst(%dma_wait3A_298 : memref<4x4x128x128xf32, #tpu.memory_space<vmem>>)
      %dma_wait3A_303 = arith.constant 1 : i32
      %dma_wait3A_304 = tpu.memref_slice %arg9[%rem3A_285, %dma_wait3A_303] : memref<6x2x!tpu.dma_semaphore, #tpu.memory_space<semaphore_mem>> -> memref<1x1x!tpu.dma_semaphore, #tpu.memory_space<semaphore_mem>>
      %dma_wait3A_305 = tpu.memref_squeeze %dma_wait3A_304 : memref<1x1x!tpu.dma_semaphore, #tpu.memory_space<semaphore_mem>> -> memref<!tpu.dma_semaphore, #tpu.memory_space<semaphore_mem>>
      %dma_wait3A_306 = arith.constant 0 : i32
      %dma_wait3A_307 = arith.constant 0 : i32
      %dma_wait3A_308 = arith.constant 0 : i32
      %dma_wait3A_309 = arith.constant 0 : i32
      %dma_wait3A_310 = tpu.memref_slice %arg7[%rem3A_285, %dma_wait3A_306, %dma_wait3A_307, %dma_wait3A_308, %dma_wait3A_309] : memref<6x4x4x128x128xf32, #tpu.memory_space<vmem>> -> memref<1x4x4x128x128xf32, #tpu.memory_space<vmem>>
      %dma_wait3A_311 = tpu.memref_squeeze %dma_wait3A_310 : memref<1x4x4x128x128xf32, #tpu.memory_space<vmem>> -> memref<4x4x128x128xf32, #tpu.memory_space<vmem>>
      %dma_wait3A_312 = arith.constant 0 : i32
      %dma_wait3A_313 = arith.constant 0 : i32
      %dma_wait3A_314 = arith.constant 0 : i32
      %dma_wait3A_315 = tpu.memref_slice %arg4[%add3A_287, %dma_wait3A_312, %dma_wait3A_313, %dma_wait3A_314] : memref<256x4x128x128xf32, #tpu.memory_space<hbm>> -> memref<4x4x128x128xf32, #tpu.memory_space<hbm>>
      tpu.wait_dma2 semaphore(%dma_wait3A_305 : memref<!tpu.dma_semaphore, #tpu.memory_space<semaphore_mem>>) src(%dma_wait3A_315 : memref<4x4x128x128xf32, #tpu.memory_space<hbm>>) dst(%dma_wait3A_311 : memref<4x4x128x128xf32, #tpu.memory_space<vmem>>)
      %add3A_316 = arith.constant 0 : i32
      %add3A_317 = arith.addi %add3A_287, %add3A_316 : i32
      %get3A = arith.index_cast %add3A_317 : i32 to index
      %get3A_318 = memref.load %arg0[%get3A] : memref<256xi32, #tpu.memory_space<smem>>
      %get3A_319 = arith.index_cast %get3A_318 : i32 to index
      %get3A_320 = memref.load %arg1[%get3A_319] : memref<1000xf32, #tpu.memory_space<smem>>
      %get3A_321 = arith.index_cast %get3A_318 : i32 to index
      %get3A_322 = memref.load %arg2[%get3A_321] : memref<1000xf32, #tpu.memory_space<smem>>
      %get3A_323 = arith.index_cast %rem3A_285 : i32 to index
      %get3A_324 = arith.constant 0 : index
      %get3A_325 = arith.constant 0 : index
      %get3A_326 = arith.constant 0 : index
      %get3A_327 = arith.constant 0 : index
      %get3A_328 = vector.load %arg6[%get3A_323, %get3A_324, %get3A_325, %get3A_326, %get3A_327] : memref<6x4x4x128x128xf32, #tpu.memory_space<vmem>>, vector<1x1x4x128x128xf32>
      %get3A_329 = vector.shape_cast %get3A_328 : vector<1x1x4x128x128xf32> to vector<4x128x128xf32>
      %mul3A_330 = vector.broadcast %get3A_320 : f32 to vector<4x128x128xf32>
      %mul3A_331 = arith.mulf %mul3A_330, %get3A_329 : vector<4x128x128xf32>
      %get3A_332 = arith.index_cast %rem3A_285 : i32 to index
      %get3A_333 = arith.constant 0 : index
      %get3A_334 = arith.constant 0 : index
      %get3A_335 = arith.constant 0 : index
      %get3A_336 = arith.constant 0 : index
      %get3A_337 = vector.load %arg7[%get3A_332, %get3A_333, %get3A_334, %get3A_335, %get3A_336] : memref<6x4x4x128x128xf32, #tpu.memory_space<vmem>>, vector<1x1x4x128x128xf32>
      %get3A_338 = vector.shape_cast %get3A_337 : vector<1x1x4x128x128xf32> to vector<4x128x128xf32>
      %mul3A_339 = vector.broadcast %get3A_322 : f32 to vector<4x128x128xf32>
      %mul3A_340 = arith.mulf %mul3A_339, %get3A_338 : vector<4x128x128xf32>
      %add3A_341 = arith.addf %mul3A_331, %mul3A_340 : vector<4x128x128xf32>
      %swap3A = arith.index_cast %rem3A_285 : i32 to index
      %swap3A_342 = arith.constant 0 : index
      %swap3A_343 = arith.constant 0 : index
      %swap3A_344 = arith.constant 0 : index
      %swap3A_345 = arith.constant 0 : index
      %swap3A_346 = vector.load %arg8[%swap3A, %swap3A_342, %swap3A_343, %swap3A_344, %swap3A_345] : memref<6x4x4x128x128xf32, #tpu.memory_space<vmem>>, vector<1x1x4x128x128xf32>
      %swap3A_347 = vector.shape_cast %swap3A_346 : vector<1x1x4x128x128xf32> to vector<4x128x128xf32>
      %swap3A_348 = vector.shape_cast %add3A_341 : vector<4x128x128xf32> to vector<1x1x4x128x128xf32>
      tpu.vector_store %arg8[%swap3A, %swap3A_342, %swap3A_343, %swap3A_344, %swap3A_345], %swap3A_348 {strides = array<i32>} : memref<6x4x4x128x128xf32, #tpu.memory_space<vmem>>, vector<1x1x4x128x128xf32>,
      %add3A_349 = arith.constant 1 : i32
      %add3A_350 = arith.addi %add3A_287, %add3A_349 : i32
      %get3A_351 = arith.index_cast %add3A_350 : i32 to index
      %get3A_352 = memref.load %arg0[%get3A_351] : memref<256xi32, #tpu.memory_space<smem>>
      %get3A_353 = arith.index_cast %get3A_352 : i32 to index
      %get3A_354 = memref.load %arg1[%get3A_353] : memref<1000xf32, #tpu.memory_space<smem>>
      %get3A_355 = arith.index_cast %get3A_352 : i32 to index
      %get3A_356 = memref.load %arg2[%get3A_355] : memref<1000xf32, #tpu.memory_space<smem>>
      %get3A_357 = arith.index_cast %rem3A_285 : i32 to index
      %get3A_358 = arith.constant 1 : index
      %get3A_359 = arith.constant 0 : index
      %get3A_360 = arith.constant 0 : index
      %get3A_361 = arith.constant 0 : index
      %get3A_362 = vector.load %arg6[%get3A_357, %get3A_358, %get3A_359, %get3A_360, %get3A_361] : memref<6x4x4x128x128xf32, #tpu.memory_space<vmem>>, vector<1x1x4x128x128xf32>
      %get3A_363 = vector.shape_cast %get3A_362 : vector<1x1x4x128x128xf32> to vector<4x128x128xf32>
      %mul3A_364 = vector.broadcast %get3A_354 : f32 to vector<4x128x128xf32>
      %mul3A_365 = arith.mulf %mul3A_364, %get3A_363 : vector<4x128x128xf32>
      %get3A_366 = arith.index_cast %rem3A_285 : i32 to index
      %get3A_367 = arith.constant 1 : index
      %get3A_368 = arith.constant 0 : index
      %get3A_369 = arith.constant 0 : index
      %get3A_370 = arith.constant 0 : index
      %get3A_371 = vector.load %arg7[%get3A_366, %get3A_367, %get3A_368, %get3A_369, %get3A_370] : memref<6x4x4x128x128xf32, #tpu.memory_space<vmem>>, vector<1x1x4x128x128xf32>
      %get3A_372 = vector.shape_cast %get3A_371 : vector<1x1x4x128x128xf32> to vector<4x128x128xf32>
      %mul3A_373 = vector.broadcast %get3A_356 : f32 to vector<4x128x128xf32>
      %mul3A_374 = arith.mulf %mul3A_373, %get3A_372 : vector<4x128x128xf32>
      %add3A_375 = arith.addf %mul3A_365, %mul3A_374 : vector<4x128x128xf32>
      %swap3A_376 = arith.index_cast %rem3A_285 : i32 to index
      %swap3A_377 = arith.constant 1 : index
      %swap3A_378 = arith.constant 0 : index
      %swap3A_379 = arith.constant 0 : index
      %swap3A_380 = arith.constant 0 : index
      %swap3A_381 = vector.load %arg8[%swap3A_376, %swap3A_377, %swap3A_378, %swap3A_379, %swap3A_380] : memref<6x4x4x128x128xf32, #tpu.memory_space<vmem>>, vector<1x1x4x128x128xf32>
      %swap3A_382 = vector.shape_cast %swap3A_381 : vector<1x1x4x128x128xf32> to vector<4x128x128xf32>
      %swap3A_383 = vector.shape_cast %add3A_375 : vector<4x128x128xf32> to vector<1x1x4x128x128xf32>
      tpu.vector_store %arg8[%swap3A_376, %swap3A_377, %swap3A_378, %swap3A_379, %swap3A_380], %swap3A_383 {strides = array<i32>} : memref<6x4x4x128x128xf32, #tpu.memory_space<vmem>>, vector<1x1x4x128x128xf32>,
      %add3A_384 = arith.constant 2 : i32
      %add3A_385 = arith.addi %add3A_287, %add3A_384 : i32
      %get3A_386 = arith.index_cast %add3A_385 : i32 to index
      %get3A_387 = memref.load %arg0[%get3A_386] : memref<256xi32, #tpu.memory_space<smem>>
      %get3A_388 = arith.index_cast %get3A_387 : i32 to index
      %get3A_389 = memref.load %arg1[%get3A_388] : memref<1000xf32, #tpu.memory_space<smem>>
      %get3A_390 = arith.index_cast %get3A_387 : i32 to index
      %get3A_391 = memref.load %arg2[%get3A_390] : memref<1000xf32, #tpu.memory_space<smem>>
      %get3A_392 = arith.index_cast %rem3A_285 : i32 to index
      %get3A_393 = arith.constant 2 : index
      %get3A_394 = arith.constant 0 : index
      %get3A_395 = arith.constant 0 : index
      %get3A_396 = arith.constant 0 : index
      %get3A_397 = vector.load %arg6[%get3A_392, %get3A_393, %get3A_394, %get3A_395, %get3A_396] : memref<6x4x4x128x128xf32, #tpu.memory_space<vmem>>, vector<1x1x4x128x128xf32>
      %get3A_398 = vector.shape_cast %get3A_397 : vector<1x1x4x128x128xf32> to vector<4x128x128xf32>
      %mul3A_399 = vector.broadcast %get3A_389 : f32 to vector<4x128x128xf32>
      %mul3A_400 = arith.mulf %mul3A_399, %get3A_398 : vector<4x128x128xf32>
      %get3A_401 = arith.index_cast %rem3A_285 : i32 to index
      %get3A_402 = arith.constant 2 : index
      %get3A_403 = arith.constant 0 : index
      %get3A_404 = arith.constant 0 : index
      %get3A_405 = arith.constant 0 : index
      %get3A_406 = vector.load %arg7[%get3A_401, %get3A_402, %get3A_403, %get3A_404, %get3A_405] : memref<6x4x4x128x128xf32, #tpu.memory_space<vmem>>, vector<1x1x4x128x128xf32>
      %get3A_407 = vector.shape_cast %get3A_406 : vector<1x1x4x128x128xf32> to vector<4x128x128xf32>
      %mul3A_408 = vector.broadcast %get3A_391 : f32 to vector<4x128x128xf32>
      %mul3A_409 = arith.mulf %mul3A_408, %get3A_407 : vector<4x128x128xf32>
      %add3A_410 = arith.addf %mul3A_400, %mul3A_409 : vector<4x128x128xf32>
      %swap3A_411 = arith.index_cast %rem3A_285 : i32 to index
      %swap3A_412 = arith.constant 2 : index
      %swap3A_413 = arith.constant 0 : index
      %swap3A_414 = arith.constant 0 : index
      %swap3A_415 = arith.constant 0 : index
      %swap3A_416 = vector.load %arg8[%swap3A_411, %swap3A_412, %swap3A_413, %swap3A_414, %swap3A_415] : memref<6x4x4x128x128xf32, #tpu.memory_space<vmem>>, vector<1x1x4x128x128xf32>
      %swap3A_417 = vector.shape_cast %swap3A_416 : vector<1x1x4x128x128xf32> to vector<4x128x128xf32>
      %swap3A_418 = vector.shape_cast %add3A_410 : vector<4x128x128xf32> to vector<1x1x4x128x128xf32>
      tpu.vector_store %arg8[%swap3A_411, %swap3A_412, %swap3A_413, %swap3A_414, %swap3A_415], %swap3A_418 {strides = array<i32>} : memref<6x4x4x128x128xf32, #tpu.memory_space<vmem>>, vector<1x1x4x128x128xf32>,
      %add3A_419 = arith.constant 3 : i32
      %add3A_420 = arith.addi %add3A_287, %add3A_419 : i32
      %get3A_421 = arith.index_cast %add3A_420 : i32 to index
      %get3A_422 = memref.load %arg0[%get3A_421] : memref<256xi32, #tpu.memory_space<smem>>
      %get3A_423 = arith.index_cast %get3A_422 : i32 to index
      %get3A_424 = memref.load %arg1[%get3A_423] : memref<1000xf32, #tpu.memory_space<smem>>
      %get3A_425 = arith.index_cast %get3A_422 : i32 to index
      %get3A_426 = memref.load %arg2[%get3A_425] : memref<1000xf32, #tpu.memory_space<smem>>
      %get3A_427 = arith.index_cast %rem3A_285 : i32 to index
      %get3A_428 = arith.constant 3 : index
      %get3A_429 = arith.constant 0 : index
      %get3A_430 = arith.constant 0 : index
      %get3A_431 = arith.constant 0 : index
      %get3A_432 = vector.load %arg6[%get3A_427, %get3A_428, %get3A_429, %get3A_430, %get3A_431] : memref<6x4x4x128x128xf32, #tpu.memory_space<vmem>>, vector<1x1x4x128x128xf32>
      %get3A_433 = vector.shape_cast %get3A_432 : vector<1x1x4x128x128xf32> to vector<4x128x128xf32>
      %mul3A_434 = vector.broadcast %get3A_424 : f32 to vector<4x128x128xf32>
      %mul3A_435 = arith.mulf %mul3A_434, %get3A_433 : vector<4x128x128xf32>
      %get3A_436 = arith.index_cast %rem3A_285 : i32 to index
      %get3A_437 = arith.constant 3 : index
      %get3A_438 = arith.constant 0 : index
      %get3A_439 = arith.constant 0 : index
      %get3A_440 = arith.constant 0 : index
      %get3A_441 = vector.load %arg7[%get3A_436, %get3A_437, %get3A_438, %get3A_439, %get3A_440] : memref<6x4x4x128x128xf32, #tpu.memory_space<vmem>>, vector<1x1x4x128x128xf32>
      %get3A_442 = vector.shape_cast %get3A_441 : vector<1x1x4x128x128xf32> to vector<4x128x128xf32>
      %mul3A_443 = vector.broadcast %get3A_426 : f32 to vector<4x128x128xf32>
      %mul3A_444 = arith.mulf %mul3A_443, %get3A_442 : vector<4x128x128xf32>
      %add3A_445 = arith.addf %mul3A_435, %mul3A_444 : vector<4x128x128xf32>
      %swap3A_446 = arith.index_cast %rem3A_285 : i32 to index
      %swap3A_447 = arith.constant 3 : index
      %swap3A_448 = arith.constant 0 : index
      %swap3A_449 = arith.constant 0 : index
      %swap3A_450 = arith.constant 0 : index
      %swap3A_451 = vector.load %arg8[%swap3A_446, %swap3A_447, %swap3A_448, %swap3A_449, %swap3A_450] : memref<6x4x4x128x128xf32, #tpu.memory_space<vmem>>, vector<1x1x4x128x128xf32>
      %swap3A_452 = vector.shape_cast %swap3A_451 : vector<1x1x4x128x128xf32> to vector<4x128x128xf32>
      %swap3A_453 = vector.shape_cast %add3A_445 : vector<4x128x128xf32> to vector<1x1x4x128x128xf32>
      tpu.vector_store %arg8[%swap3A_446, %swap3A_447, %swap3A_448, %swap3A_449, %swap3A_450], %swap3A_453 {strides = array<i32>} : memref<6x4x4x128x128xf32, #tpu.memory_space<vmem>>, vector<1x1x4x128x128xf32>,
      %dma_start3A_454 = tpu.memref_slice %arg10[%rem3A_285] : memref<6x!tpu.dma_semaphore, #tpu.memory_space<semaphore_mem>> -> memref<1x!tpu.dma_semaphore, #tpu.memory_space<semaphore_mem>>
      %dma_start3A_455 = tpu.memref_squeeze %dma_start3A_454 : memref<1x!tpu.dma_semaphore, #tpu.memory_space<semaphore_mem>> -> memref<!tpu.dma_semaphore, #tpu.memory_space<semaphore_mem>>
      %dma_start3A_456 = arith.constant 0 : i32
      %dma_start3A_457 = arith.constant 0 : i32
      %dma_start3A_458 = arith.constant 0 : i32
      %dma_start3A_459 = tpu.memref_slice %arg5[%add3A_287, %dma_start3A_456, %dma_start3A_457, %dma_start3A_458] : memref<256x4x128x128xf32, #tpu.memory_space<hbm>> -> memref<4x4x128x128xf32, #tpu.memory_space<hbm>>
      %dma_start3A_460 = arith.constant 0 : i32
      %dma_start3A_461 = arith.constant 0 : i32
      %dma_start3A_462 = arith.constant 0 : i32
      %dma_start3A_463 = arith.constant 0 : i32
      %dma_start3A_464 = tpu.memref_slice %arg8[%rem3A_285, %dma_start3A_460, %dma_start3A_461, %dma_start3A_462, %dma_start3A_463] : memref<6x4x4x128x128xf32, #tpu.memory_space<vmem>> -> memref<1x4x4x128x128xf32, #tpu.memory_space<vmem>>
      %dma_start3A_465 = tpu.memref_squeeze %dma_start3A_464 : memref<1x4x4x128x128xf32, #tpu.memory_space<vmem>> -> memref<4x4x128x128xf32, #tpu.memory_space<vmem>>
      tpu.enqueue_dma source(%dma_start3A_465 : memref<4x4x128x128xf32, #tpu.memory_space<vmem>>) target(%dma_start3A_459 : memref<4x4x128x128xf32, #tpu.memory_space<hbm>>) target_semaphore(%dma_start3A_455 : memref<!tpu.dma_semaphore, #tpu.memory_space<semaphore_mem>>)
      %add3A_466 = arith.constant 6 : i32
      %add3A_467 = arith.addi %scan3A_284, %add3A_466 : i32
      %lt3A = arith.constant 40 : i32
      %lt3A_468 = arith.cmpi slt, %add3A_467, %lt3A : i32
      %convert_element_type3A_469 = arith.extui %lt3A_468 : i1 to i32
      %cond3A_470 = arith.constant 0 : i32
      %cond3A_471 = arith.cmpi ne, %convert_element_type3A_469, %cond3A_470 : i32
      scf.if %cond3A_471 {
        %add3A_472 = arith.constant 6 : i32
        %add3A_473 = arith.addi %scan3A_284, %add3A_472 : i32
        %mul3A_474 = arith.constant 4 : i32
        %mul3A_475 = arith.muli %add3A_473, %mul3A_474 : i32
        %add3A_476 = arith.constant 96 : i32
        %add3A_477 = arith.addi %add3A_476, %mul3A_475 : i32
        %dma_start3A_478 = arith.constant 0 : i32
        %dma_start3A_479 = tpu.memref_slice %arg9[%rem3A_285, %dma_start3A_478] : memref<6x2x!tpu.dma_semaphore, #tpu.memory_space<semaphore_mem>> -> memref<1x1x!tpu.dma_semaphore, #tpu.memory_space<semaphore_mem>>
        %dma_start3A_480 = tpu.memref_squeeze %dma_start3A_479 : memref<1x1x!tpu.dma_semaphore, #tpu.memory_space<semaphore_mem>> -> memref<!tpu.dma_semaphore, #tpu.memory_space<semaphore_mem>>
        %dma_start3A_481 = arith.constant 0 : i32
        %dma_start3A_482 = arith.constant 0 : i32
        %dma_start3A_483 = arith.constant 0 : i32
        %dma_start3A_484 = arith.constant 0 : i32
        %dma_start3A_485 = tpu.memref_slice %arg6[%rem3A_285, %dma_start3A_481, %dma_start3A_482, %dma_start3A_483, %dma_start3A_484] : memref<6x4x4x128x128xf32, #tpu.memory_space<vmem>> -> memref<1x4x4x128x128xf32, #tpu.memory_space<vmem>>
        %dma_start3A_486 = tpu.memref_squeeze %dma_start3A_485 : memref<1x4x4x128x128xf32, #tpu.memory_space<vmem>> -> memref<4x4x128x128xf32, #tpu.memory_space<vmem>>
        %dma_start3A_487 = arith.constant 0 : i32
        %dma_start3A_488 = arith.constant 0 : i32
        %dma_start3A_489 = arith.constant 0 : i32
        %dma_start3A_490 = tpu.memref_slice %arg3[%add3A_477, %dma_start3A_487, %dma_start3A_488, %dma_start3A_489] : memref<256x4x128x128xf32, #tpu.memory_space<hbm>> -> memref<4x4x128x128xf32, #tpu.memory_space<hbm>>
        tpu.enqueue_dma source(%dma_start3A_490 : memref<4x4x128x128xf32, #tpu.memory_space<hbm>>) target(%dma_start3A_486 : memref<4x4x128x128xf32, #tpu.memory_space<vmem>>) target_semaphore(%dma_start3A_480 : memref<!tpu.dma_semaphore, #tpu.memory_space<semaphore_mem>>)
        %dma_start3A_491 = arith.constant 1 : i32
        %dma_start3A_492 = tpu.memref_slice %arg9[%rem3A_285, %dma_start3A_491] : memref<6x2x!tpu.dma_semaphore, #tpu.memory_space<semaphore_mem>> -> memref<1x1x!tpu.dma_semaphore, #tpu.memory_space<semaphore_mem>>
        %dma_start3A_493 = tpu.memref_squeeze %dma_start3A_492 : memref<1x1x!tpu.dma_semaphore, #tpu.memory_space<semaphore_mem>> -> memref<!tpu.dma_semaphore, #tpu.memory_space<semaphore_mem>>
        %dma_start3A_494 = arith.constant 0 : i32
        %dma_start3A_495 = arith.constant 0 : i32
        %dma_start3A_496 = arith.constant 0 : i32
        %dma_start3A_497 = arith.constant 0 : i32
        %dma_start3A_498 = tpu.memref_slice %arg7[%rem3A_285, %dma_start3A_494, %dma_start3A_495, %dma_start3A_496, %dma_start3A_497] : memref<6x4x4x128x128xf32, #tpu.memory_space<vmem>> -> memref<1x4x4x128x128xf32, #tpu.memory_space<vmem>>
        %dma_start3A_499 = tpu.memref_squeeze %dma_start3A_498 : memref<1x4x4x128x128xf32, #tpu.memory_space<vmem>> -> memref<4x4x128x128xf32, #tpu.memory_space<vmem>>
        %dma_start3A_500 = arith.constant 0 : i32
        %dma_start3A_501 = arith.constant 0 : i32
        %dma_start3A_502 = arith.constant 0 : i32
        %dma_start3A_503 = tpu.memref_slice %arg4[%add3A_477, %dma_start3A_500, %dma_start3A_501, %dma_start3A_502] : memref<256x4x128x128xf32, #tpu.memory_space<hbm>> -> memref<4x4x128x128xf32, #tpu.memory_space<hbm>>
        tpu.enqueue_dma source(%dma_start3A_503 : memref<4x4x128x128xf32, #tpu.memory_space<hbm>>) target(%dma_start3A_499 : memref<4x4x128x128xf32, #tpu.memory_space<vmem>>) target_semaphore(%dma_start3A_493 : memref<!tpu.dma_semaphore, #tpu.memory_space<semaphore_mem>>)
      } else {
      }
    }
    %scan3A_194 = arith.constant 40 : i32
    %dma_wait3A = arith.constant 4 : i32
    %dma_wait3A_195 = arith.constant 4 : i32
    %dma_wait3A_196 = tpu.memref_slice %arg10[%dma_wait3A_195] : memref<6x!tpu.dma_semaphore, #tpu.memory_space<semaphore_mem>> -> memref<1x!tpu.dma_semaphore, #tpu.memory_space<semaphore_mem>>
    %dma_wait3A_197 = tpu.memref_squeeze %dma_wait3A_196 : memref<1x!tpu.dma_semaphore, #tpu.memory_space<semaphore_mem>> -> memref<!tpu.dma_semaphore, #tpu.memory_space<semaphore_mem>>
    %dma_wait3A_198 = arith.constant 232 : i32
    %dma_wait3A_199 = arith.constant 0 : i32
    %dma_wait3A_200 = arith.constant 0 : i32
    %dma_wait3A_201 = arith.constant 0 : i32
    %dma_wait3A_202 = tpu.memref_slice %arg5[%dma_wait3A_198, %dma_wait3A_199, %dma_wait3A_200, %dma_wait3A_201] : memref<256x4x128x128xf32, #tpu.memory_space<hbm>> -> memref<4x4x128x128xf32, #tpu.memory_space<hbm>>
    %dma_wait3A_203 = arith.constant 0 : i32
    %dma_wait3A_204 = arith.constant 0 : i32
    %dma_wait3A_205 = arith.constant 0 : i32
    %dma_wait3A_206 = arith.constant 0 : i32
    %dma_wait3A_207 = tpu.memref_slice %arg8[%dma_wait3A, %dma_wait3A_203, %dma_wait3A_204, %dma_wait3A_205, %dma_wait3A_206] : memref<6x4x4x128x128xf32, #tpu.memory_space<vmem>> -> memref<1x4x4x128x128xf32, #tpu.memory_space<vmem>>
    %dma_wait3A_208 = tpu.memref_squeeze %dma_wait3A_207 : memref<1x4x4x128x128xf32, #tpu.memory_space<vmem>> -> memref<4x4x128x128xf32, #tpu.memory_space<vmem>>
    tpu.wait_dma2 semaphore(%dma_wait3A_197 : memref<!tpu.dma_semaphore, #tpu.memory_space<semaphore_mem>>) src(%dma_wait3A_208 : memref<4x4x128x128xf32, #tpu.memory_space<vmem>>) dst(%dma_wait3A_202 : memref<4x4x128x128xf32, #tpu.memory_space<hbm>>)
    %dma_wait3A_209 = arith.constant 5 : i32
    %dma_wait3A_210 = arith.constant 5 : i32
    %dma_wait3A_211 = tpu.memref_slice %arg10[%dma_wait3A_210] : memref<6x!tpu.dma_semaphore, #tpu.memory_space<semaphore_mem>> -> memref<1x!tpu.dma_semaphore, #tpu.memory_space<semaphore_mem>>
    %dma_wait3A_212 = tpu.memref_squeeze %dma_wait3A_211 : memref<1x!tpu.dma_semaphore, #tpu.memory_space<semaphore_mem>> -> memref<!tpu.dma_semaphore, #tpu.memory_space<semaphore_mem>>
    %dma_wait3A_213 = arith.constant 236 : i32
    %dma_wait3A_214 = arith.constant 0 : i32
    %dma_wait3A_215 = arith.constant 0 : i32
    %dma_wait3A_216 = arith.constant 0 : i32
    %dma_wait3A_217 = tpu.memref_slice %arg5[%dma_wait3A_213, %dma_wait3A_214, %dma_wait3A_215, %dma_wait3A_216] : memref<256x4x128x128xf32, #tpu.memory_space<hbm>> -> memref<4x4x128x128xf32, #tpu.memory_space<hbm>>
    %dma_wait3A_218 = arith.constant 0 : i32
    %dma_wait3A_219 = arith.constant 0 : i32
    %dma_wait3A_220 = arith.constant 0 : i32
    %dma_wait3A_221 = arith.constant 0 : i32
    %dma_wait3A_222 = tpu.memref_slice %arg8[%dma_wait3A_209, %dma_wait3A_218, %dma_wait3A_219, %dma_wait3A_220, %dma_wait3A_221] : memref<6x4x4x128x128xf32, #tpu.memory_space<vmem>> -> memref<1x4x4x128x128xf32, #tpu.memory_space<vmem>>
    %dma_wait3A_223 = tpu.memref_squeeze %dma_wait3A_222 : memref<1x4x4x128x128xf32, #tpu.memory_space<vmem>> -> memref<4x4x128x128xf32, #tpu.memory_space<vmem>>
    tpu.wait_dma2 semaphore(%dma_wait3A_212 : memref<!tpu.dma_semaphore, #tpu.memory_space<semaphore_mem>>) src(%dma_wait3A_223 : memref<4x4x128x128xf32, #tpu.memory_space<vmem>>) dst(%dma_wait3A_217 : memref<4x4x128x128xf32, #tpu.memory_space<hbm>>)
    %dma_wait3A_224 = arith.constant 0 : i32
    %dma_wait3A_225 = arith.constant 0 : i32
    %dma_wait3A_226 = tpu.memref_slice %arg10[%dma_wait3A_225] : memref<6x!tpu.dma_semaphore, #tpu.memory_space<semaphore_mem>> -> memref<1x!tpu.dma_semaphore, #tpu.memory_space<semaphore_mem>>
    %dma_wait3A_227 = tpu.memref_squeeze %dma_wait3A_226 : memref<1x!tpu.dma_semaphore, #tpu.memory_space<semaphore_mem>> -> memref<!tpu.dma_semaphore, #tpu.memory_space<semaphore_mem>>
    %dma_wait3A_228 = arith.constant 240 : i32
    %dma_wait3A_229 = arith.constant 0 : i32
    %dma_wait3A_230 = arith.constant 0 : i32
    %dma_wait3A_231 = arith.constant 0 : i32
    %dma_wait3A_232 = tpu.memref_slice %arg5[%dma_wait3A_228, %dma_wait3A_229, %dma_wait3A_230, %dma_wait3A_231] : memref<256x4x128x128xf32, #tpu.memory_space<hbm>> -> memref<4x4x128x128xf32, #tpu.memory_space<hbm>>
    %dma_wait3A_233 = arith.constant 0 : i32
    %dma_wait3A_234 = arith.constant 0 : i32
    %dma_wait3A_235 = arith.constant 0 : i32
    %dma_wait3A_236 = arith.constant 0 : i32
    %dma_wait3A_237 = tpu.memref_slice %arg8[%dma_wait3A_224, %dma_wait3A_233, %dma_wait3A_234, %dma_wait3A_235, %dma_wait3A_236] : memref<6x4x4x128x128xf32, #tpu.memory_space<vmem>> -> memref<1x4x4x128x128xf32, #tpu.memory_space<vmem>>
    %dma_wait3A_238 = tpu.memref_squeeze %dma_wait3A_237 : memref<1x4x4x128x128xf32, #tpu.memory_space<vmem>> -> memref<4x4x128x128xf32, #tpu.memory_space<vmem>>
    tpu.wait_dma2 semaphore(%dma_wait3A_227 : memref<!tpu.dma_semaphore, #tpu.memory_space<semaphore_mem>>) src(%dma_wait3A_238 : memref<4x4x128x128xf32, #tpu.memory_space<vmem>>) dst(%dma_wait3A_232 : memref<4x4x128x128xf32, #tpu.memory_space<hbm>>)
    %dma_wait3A_239 = arith.constant 1 : i32
    %dma_wait3A_240 = arith.constant 1 : i32
    %dma_wait3A_241 = tpu.memref_slice %arg10[%dma_wait3A_240] : memref<6x!tpu.dma_semaphore, #tpu.memory_space<semaphore_mem>> -> memref<1x!tpu.dma_semaphore, #tpu.memory_space<semaphore_mem>>
    %dma_wait3A_242 = tpu.memref_squeeze %dma_wait3A_241 : memref<1x!tpu.dma_semaphore, #tpu.memory_space<semaphore_mem>> -> memref<!tpu.dma_semaphore, #tpu.memory_space<semaphore_mem>>
    %dma_wait3A_243 = arith.constant 244 : i32
    %dma_wait3A_244 = arith.constant 0 : i32
    %dma_wait3A_245 = arith.constant 0 : i32
    %dma_wait3A_246 = arith.constant 0 : i32
    %dma_wait3A_247 = tpu.memref_slice %arg5[%dma_wait3A_243, %dma_wait3A_244, %dma_wait3A_245, %dma_wait3A_246] : memref<256x4x128x128xf32, #tpu.memory_space<hbm>> -> memref<4x4x128x128xf32, #tpu.memory_space<hbm>>
    %dma_wait3A_248 = arith.constant 0 : i32
    %dma_wait3A_249 = arith.constant 0 : i32
    %dma_wait3A_250 = arith.constant 0 : i32
    %dma_wait3A_251 = arith.constant 0 : i32
    %dma_wait3A_252 = tpu.memref_slice %arg8[%dma_wait3A_239, %dma_wait3A_248, %dma_wait3A_249, %dma_wait3A_250, %dma_wait3A_251] : memref<6x4x4x128x128xf32, #tpu.memory_space<vmem>> -> memref<1x4x4x128x128xf32, #tpu.memory_space<vmem>>
    %dma_wait3A_253 = tpu.memref_squeeze %dma_wait3A_252 : memref<1x4x4x128x128xf32, #tpu.memory_space<vmem>> -> memref<4x4x128x128xf32, #tpu.memory_space<vmem>>
    tpu.wait_dma2 semaphore(%dma_wait3A_242 : memref<!tpu.dma_semaphore, #tpu.memory_space<semaphore_mem>>) src(%dma_wait3A_253 : memref<4x4x128x128xf32, #tpu.memory_space<vmem>>) dst(%dma_wait3A_247 : memref<4x4x128x128xf32, #tpu.memory_space<hbm>>)
    %dma_wait3A_254 = arith.constant 2 : i32
    %dma_wait3A_255 = arith.constant 2 : i32
    %dma_wait3A_256 = tpu.memref_slice %arg10[%dma_wait3A_255] : memref<6x!tpu.dma_semaphore, #tpu.memory_space<semaphore_mem>> -> memref<1x!tpu.dma_semaphore, #tpu.memory_space<semaphore_mem>>
    %dma_wait3A_257 = tpu.memref_squeeze %dma_wait3A_256 : memref<1x!tpu.dma_semaphore, #tpu.memory_space<semaphore_mem>> -> memref<!tpu.dma_semaphore, #tpu.memory_space<semaphore_mem>>
    %dma_wait3A_258 = arith.constant 248 : i32
    %dma_wait3A_259 = arith.constant 0 : i32
    %dma_wait3A_260 = arith.constant 0 : i32
    %dma_wait3A_261 = arith.constant 0 : i32
    %dma_wait3A_262 = tpu.memref_slice %arg5[%dma_wait3A_258, %dma_wait3A_259, %dma_wait3A_260, %dma_wait3A_261] : memref<256x4x128x128xf32, #tpu.memory_space<hbm>> -> memref<4x4x128x128xf32, #tpu.memory_space<hbm>>
    %dma_wait3A_263 = arith.constant 0 : i32
    %dma_wait3A_264 = arith.constant 0 : i32
    %dma_wait3A_265 = arith.constant 0 : i32
    %dma_wait3A_266 = arith.constant 0 : i32
    %dma_wait3A_267 = tpu.memref_slice %arg8[%dma_wait3A_254, %dma_wait3A_263, %dma_wait3A_264, %dma_wait3A_265, %dma_wait3A_266] : memref<6x4x4x128x128xf32, #tpu.memory_space<vmem>> -> memref<1x4x4x128x128xf32, #tpu.memory_space<vmem>>
    %dma_wait3A_268 = tpu.memref_squeeze %dma_wait3A_267 : memref<1x4x4x128x128xf32, #tpu.memory_space<vmem>> -> memref<4x4x128x128xf32, #tpu.memory_space<vmem>>
    tpu.wait_dma2 semaphore(%dma_wait3A_257 : memref<!tpu.dma_semaphore, #tpu.memory_space<semaphore_mem>>) src(%dma_wait3A_268 : memref<4x4x128x128xf32, #tpu.memory_space<vmem>>) dst(%dma_wait3A_262 : memref<4x4x128x128xf32, #tpu.memory_space<hbm>>)
    %dma_wait3A_269 = arith.constant 3 : i32
    %dma_wait3A_270 = arith.constant 3 : i32
    %dma_wait3A_271 = tpu.memref_slice %arg10[%dma_wait3A_270] : memref<6x!tpu.dma_semaphore, #tpu.memory_space<semaphore_mem>> -> memref<1x!tpu.dma_semaphore, #tpu.memory_space<semaphore_mem>>
    %dma_wait3A_272 = tpu.memref_squeeze %dma_wait3A_271 : memref<1x!tpu.dma_semaphore, #tpu.memory_space<semaphore_mem>> -> memref<!tpu.dma_semaphore, #tpu.memory_space<semaphore_mem>>
    %dma_wait3A_273 = arith.constant 252 : i32
    %dma_wait3A_274 = arith.constant 0 : i32
    %dma_wait3A_275 = arith.constant 0 : i32
    %dma_wait3A_276 = arith.constant 0 : i32
    %dma_wait3A_277 = tpu.memref_slice %arg5[%dma_wait3A_273, %dma_wait3A_274, %dma_wait3A_275, %dma_wait3A_276] : memref<256x4x128x128xf32, #tpu.memory_space<hbm>> -> memref<4x4x128x128xf32, #tpu.memory_space<hbm>>
    %dma_wait3A_278 = arith.constant 0 : i32
    %dma_wait3A_279 = arith.constant 0 : i32
    %dma_wait3A_280 = arith.constant 0 : i32
    %dma_wait3A_281 = arith.constant 0 : i32
    %dma_wait3A_282 = tpu.memref_slice %arg8[%dma_wait3A_269, %dma_wait3A_278, %dma_wait3A_279, %dma_wait3A_280, %dma_wait3A_281] : memref<6x4x4x128x128xf32, #tpu.memory_space<vmem>> -> memref<1x4x4x128x128xf32, #tpu.memory_space<vmem>>
    %dma_wait3A_283 = tpu.memref_squeeze %dma_wait3A_282 : memref<1x4x4x128x128xf32, #tpu.memory_space<vmem>> -> memref<4x4x128x128xf32, #tpu.memory_space<vmem>>
    tpu.wait_dma2 semaphore(%dma_wait3A_272 : memref<!tpu.dma_semaphore, #tpu.memory_space<semaphore_mem>>) src(%dma_wait3A_283 : memref<4x4x128x128xf32, #tpu.memory_space<vmem>>) dst(%dma_wait3A_277 : memref<4x4x128x128xf32, #tpu.memory_space<hbm>>)
    return
  }
}

module attributes {stable_mosaic.version = 14 : i64} {
  func.func @body(%arg0: memref<256xf32, #tpu.memory_space<smem>>, %arg1: memref<256xf32, #tpu.memory_space<smem>>, %arg2: memref<256x4x128x128xf32, #tpu.memory_space<hbm>>, %arg3: memref<256x4x128x128xf32, #tpu.memory_space<hbm>>, %arg4: memref<256x4x128x128xf32, #tpu.memory_space<hbm>>, %arg5: memref<256x4x128x128xf32, #tpu.memory_space<hbm>>, %arg6: memref<4x4x4x128x128xf32, #tpu.memory_space<vmem>>, %arg7: memref<4x4x4x128x128xf32, #tpu.memory_space<vmem>>, %arg8: memref<4x4x4x128x128xf32, #tpu.memory_space<vmem>>, %arg9: memref<4x2x!tpu.dma_semaphore, #tpu.memory_space<semaphore_mem>>, %arg10: memref<4x!tpu.dma_semaphore, #tpu.memory_space<semaphore_mem>>) attributes {dimension_semantics = [], scalar_prefetch = 0 : i64, scratch_operands = 5 : i64, tpu.core_type = #tpu.core_type<tc>} {
    %dma_start3A = arith.constant 0 : i32
    %dma_start3A_0 = arith.constant 0 : i32
    %dma_start3A_1 = arith.constant 0 : i32
    %dma_start3A_2 = tpu.memref_slice %arg9[%dma_start3A_0, %dma_start3A_1] : memref<4x2x!tpu.dma_semaphore, #tpu.memory_space<semaphore_mem>> -> memref<1x1x!tpu.dma_semaphore, #tpu.memory_space<semaphore_mem>>
    %dma_start3A_3 = tpu.memref_squeeze %dma_start3A_2 : memref<1x1x!tpu.dma_semaphore, #tpu.memory_space<semaphore_mem>> -> memref<!tpu.dma_semaphore, #tpu.memory_space<semaphore_mem>>
    %dma_start3A_4 = arith.constant 0 : i32
    %dma_start3A_5 = arith.constant 0 : i32
    %dma_start3A_6 = arith.constant 0 : i32
    %dma_start3A_7 = arith.constant 0 : i32
    %dma_start3A_8 = tpu.memref_slice %arg6[%dma_start3A, %dma_start3A_4, %dma_start3A_5, %dma_start3A_6, %dma_start3A_7] : memref<4x4x4x128x128xf32, #tpu.memory_space<vmem>> -> memref<1x4x4x128x128xf32, #tpu.memory_space<vmem>>
    %dma_start3A_9 = tpu.memref_squeeze %dma_start3A_8 : memref<1x4x4x128x128xf32, #tpu.memory_space<vmem>> -> memref<4x4x128x128xf32, #tpu.memory_space<vmem>>
    %dma_start3A_10 = arith.constant 0 : i32
    %dma_start3A_11 = arith.constant 0 : i32
    %dma_start3A_12 = arith.constant 0 : i32
    %dma_start3A_13 = arith.constant 0 : i32
    %dma_start3A_14 = tpu.memref_slice %arg2[%dma_start3A_10, %dma_start3A_11, %dma_start3A_12, %dma_start3A_13] : memref<256x4x128x128xf32, #tpu.memory_space<hbm>> -> memref<4x4x128x128xf32, #tpu.memory_space<hbm>>
    tpu.enqueue_dma source(%dma_start3A_14 : memref<4x4x128x128xf32, #tpu.memory_space<hbm>>) target(%dma_start3A_9 : memref<4x4x128x128xf32, #tpu.memory_space<vmem>>) target_semaphore(%dma_start3A_3 : memref<!tpu.dma_semaphore, #tpu.memory_space<semaphore_mem>>)
    %dma_start3A_15 = arith.constant 0 : i32
    %dma_start3A_16 = arith.constant 0 : i32
    %dma_start3A_17 = arith.constant 1 : i32
    %dma_start3A_18 = tpu.memref_slice %arg9[%dma_start3A_16, %dma_start3A_17] : memref<4x2x!tpu.dma_semaphore, #tpu.memory_space<semaphore_mem>> -> memref<1x1x!tpu.dma_semaphore, #tpu.memory_space<semaphore_mem>>
    %dma_start3A_19 = tpu.memref_squeeze %dma_start3A_18 : memref<1x1x!tpu.dma_semaphore, #tpu.memory_space<semaphore_mem>> -> memref<!tpu.dma_semaphore, #tpu.memory_space<semaphore_mem>>
    %dma_start3A_20 = arith.constant 0 : i32
    %dma_start3A_21 = arith.constant 0 : i32
    %dma_start3A_22 = arith.constant 0 : i32
    %dma_start3A_23 = arith.constant 0 : i32
    %dma_start3A_24 = tpu.memref_slice %arg7[%dma_start3A_15, %dma_start3A_20, %dma_start3A_21, %dma_start3A_22, %dma_start3A_23] : memref<4x4x4x128x128xf32, #tpu.memory_space<vmem>> -> memref<1x4x4x128x128xf32, #tpu.memory_space<vmem>>
    %dma_start3A_25 = tpu.memref_squeeze %dma_start3A_24 : memref<1x4x4x128x128xf32, #tpu.memory_space<vmem>> -> memref<4x4x128x128xf32, #tpu.memory_space<vmem>>
    %dma_start3A_26 = arith.constant 0 : i32
    %dma_start3A_27 = arith.constant 0 : i32
    %dma_start3A_28 = arith.constant 0 : i32
    %dma_start3A_29 = arith.constant 0 : i32
    %dma_start3A_30 = tpu.memref_slice %arg3[%dma_start3A_26, %dma_start3A_27, %dma_start3A_28, %dma_start3A_29] : memref<256x4x128x128xf32, #tpu.memory_space<hbm>> -> memref<4x4x128x128xf32, #tpu.memory_space<hbm>>
    tpu.enqueue_dma source(%dma_start3A_30 : memref<4x4x128x128xf32, #tpu.memory_space<hbm>>) target(%dma_start3A_25 : memref<4x4x128x128xf32, #tpu.memory_space<vmem>>) target_semaphore(%dma_start3A_19 : memref<!tpu.dma_semaphore, #tpu.memory_space<semaphore_mem>>)
    %dma_start3A_31 = arith.constant 1 : i32
    %dma_start3A_32 = arith.constant 1 : i32
    %dma_start3A_33 = arith.constant 0 : i32
    %dma_start3A_34 = tpu.memref_slice %arg9[%dma_start3A_32, %dma_start3A_33] : memref<4x2x!tpu.dma_semaphore, #tpu.memory_space<semaphore_mem>> -> memref<1x1x!tpu.dma_semaphore, #tpu.memory_space<semaphore_mem>>
    %dma_start3A_35 = tpu.memref_squeeze %dma_start3A_34 : memref<1x1x!tpu.dma_semaphore, #tpu.memory_space<semaphore_mem>> -> memref<!tpu.dma_semaphore, #tpu.memory_space<semaphore_mem>>
    %dma_start3A_36 = arith.constant 0 : i32
    %dma_start3A_37 = arith.constant 0 : i32
    %dma_start3A_38 = arith.constant 0 : i32
    %dma_start3A_39 = arith.constant 0 : i32
    %dma_start3A_40 = tpu.memref_slice %arg6[%dma_start3A_31, %dma_start3A_36, %dma_start3A_37, %dma_start3A_38, %dma_start3A_39] : memref<4x4x4x128x128xf32, #tpu.memory_space<vmem>> -> memref<1x4x4x128x128xf32, #tpu.memory_space<vmem>>
    %dma_start3A_41 = tpu.memref_squeeze %dma_start3A_40 : memref<1x4x4x128x128xf32, #tpu.memory_space<vmem>> -> memref<4x4x128x128xf32, #tpu.memory_space<vmem>>
    %dma_start3A_42 = arith.constant 4 : i32
    %dma_start3A_43 = arith.constant 0 : i32
    %dma_start3A_44 = arith.constant 0 : i32
    %dma_start3A_45 = arith.constant 0 : i32
    %dma_start3A_46 = tpu.memref_slice %arg2[%dma_start3A_42, %dma_start3A_43, %dma_start3A_44, %dma_start3A_45] : memref<256x4x128x128xf32, #tpu.memory_space<hbm>> -> memref<4x4x128x128xf32, #tpu.memory_space<hbm>>
    tpu.enqueue_dma source(%dma_start3A_46 : memref<4x4x128x128xf32, #tpu.memory_space<hbm>>) target(%dma_start3A_41 : memref<4x4x128x128xf32, #tpu.memory_space<vmem>>) target_semaphore(%dma_start3A_35 : memref<!tpu.dma_semaphore, #tpu.memory_space<semaphore_mem>>)
    %dma_start3A_47 = arith.constant 1 : i32
    %dma_start3A_48 = arith.constant 1 : i32
    %dma_start3A_49 = arith.constant 1 : i32
    %dma_start3A_50 = tpu.memref_slice %arg9[%dma_start3A_48, %dma_start3A_49] : memref<4x2x!tpu.dma_semaphore, #tpu.memory_space<semaphore_mem>> -> memref<1x1x!tpu.dma_semaphore, #tpu.memory_space<semaphore_mem>>
    %dma_start3A_51 = tpu.memref_squeeze %dma_start3A_50 : memref<1x1x!tpu.dma_semaphore, #tpu.memory_space<semaphore_mem>> -> memref<!tpu.dma_semaphore, #tpu.memory_space<semaphore_mem>>
    %dma_start3A_52 = arith.constant 0 : i32
    %dma_start3A_53 = arith.constant 0 : i32
    %dma_start3A_54 = arith.constant 0 : i32
    %dma_start3A_55 = arith.constant 0 : i32
    %dma_start3A_56 = tpu.memref_slice %arg7[%dma_start3A_47, %dma_start3A_52, %dma_start3A_53, %dma_start3A_54, %dma_start3A_55] : memref<4x4x4x128x128xf32, #tpu.memory_space<vmem>> -> memref<1x4x4x128x128xf32, #tpu.memory_space<vmem>>
    %dma_start3A_57 = tpu.memref_squeeze %dma_start3A_56 : memref<1x4x4x128x128xf32, #tpu.memory_space<vmem>> -> memref<4x4x128x128xf32, #tpu.memory_space<vmem>>
    %dma_start3A_58 = arith.constant 4 : i32
    %dma_start3A_59 = arith.constant 0 : i32
    %dma_start3A_60 = arith.constant 0 : i32
    %dma_start3A_61 = arith.constant 0 : i32
    %dma_start3A_62 = tpu.memref_slice %arg3[%dma_start3A_58, %dma_start3A_59, %dma_start3A_60, %dma_start3A_61] : memref<256x4x128x128xf32, #tpu.memory_space<hbm>> -> memref<4x4x128x128xf32, #tpu.memory_space<hbm>>
    tpu.enqueue_dma source(%dma_start3A_62 : memref<4x4x128x128xf32, #tpu.memory_space<hbm>>) target(%dma_start3A_57 : memref<4x4x128x128xf32, #tpu.memory_space<vmem>>) target_semaphore(%dma_start3A_51 : memref<!tpu.dma_semaphore, #tpu.memory_space<semaphore_mem>>)
    %dma_start3A_63 = arith.constant 2 : i32
    %dma_start3A_64 = arith.constant 2 : i32
    %dma_start3A_65 = arith.constant 0 : i32
    %dma_start3A_66 = tpu.memref_slice %arg9[%dma_start3A_64, %dma_start3A_65] : memref<4x2x!tpu.dma_semaphore, #tpu.memory_space<semaphore_mem>> -> memref<1x1x!tpu.dma_semaphore, #tpu.memory_space<semaphore_mem>>
    %dma_start3A_67 = tpu.memref_squeeze %dma_start3A_66 : memref<1x1x!tpu.dma_semaphore, #tpu.memory_space<semaphore_mem>> -> memref<!tpu.dma_semaphore, #tpu.memory_space<semaphore_mem>>
    %dma_start3A_68 = arith.constant 0 : i32
    %dma_start3A_69 = arith.constant 0 : i32
    %dma_start3A_70 = arith.constant 0 : i32
    %dma_start3A_71 = arith.constant 0 : i32
    %dma_start3A_72 = tpu.memref_slice %arg6[%dma_start3A_63, %dma_start3A_68, %dma_start3A_69, %dma_start3A_70, %dma_start3A_71] : memref<4x4x4x128x128xf32, #tpu.memory_space<vmem>> -> memref<1x4x4x128x128xf32, #tpu.memory_space<vmem>>
    %dma_start3A_73 = tpu.memref_squeeze %dma_start3A_72 : memref<1x4x4x128x128xf32, #tpu.memory_space<vmem>> -> memref<4x4x128x128xf32, #tpu.memory_space<vmem>>
    %dma_start3A_74 = arith.constant 8 : i32
    %dma_start3A_75 = arith.constant 0 : i32
    %dma_start3A_76 = arith.constant 0 : i32
    %dma_start3A_77 = arith.constant 0 : i32
    %dma_start3A_78 = tpu.memref_slice %arg2[%dma_start3A_74, %dma_start3A_75, %dma_start3A_76, %dma_start3A_77] : memref<256x4x128x128xf32, #tpu.memory_space<hbm>> -> memref<4x4x128x128xf32, #tpu.memory_space<hbm>>
    tpu.enqueue_dma source(%dma_start3A_78 : memref<4x4x128x128xf32, #tpu.memory_space<hbm>>) target(%dma_start3A_73 : memref<4x4x128x128xf32, #tpu.memory_space<vmem>>) target_semaphore(%dma_start3A_67 : memref<!tpu.dma_semaphore, #tpu.memory_space<semaphore_mem>>)
    %dma_start3A_79 = arith.constant 2 : i32
    %dma_start3A_80 = arith.constant 2 : i32
    %dma_start3A_81 = arith.constant 1 : i32
    %dma_start3A_82 = tpu.memref_slice %arg9[%dma_start3A_80, %dma_start3A_81] : memref<4x2x!tpu.dma_semaphore, #tpu.memory_space<semaphore_mem>> -> memref<1x1x!tpu.dma_semaphore, #tpu.memory_space<semaphore_mem>>
    %dma_start3A_83 = tpu.memref_squeeze %dma_start3A_82 : memref<1x1x!tpu.dma_semaphore, #tpu.memory_space<semaphore_mem>> -> memref<!tpu.dma_semaphore, #tpu.memory_space<semaphore_mem>>
    %dma_start3A_84 = arith.constant 0 : i32
    %dma_start3A_85 = arith.constant 0 : i32
    %dma_start3A_86 = arith.constant 0 : i32
    %dma_start3A_87 = arith.constant 0 : i32
    %dma_start3A_88 = tpu.memref_slice %arg7[%dma_start3A_79, %dma_start3A_84, %dma_start3A_85, %dma_start3A_86, %dma_start3A_87] : memref<4x4x4x128x128xf32, #tpu.memory_space<vmem>> -> memref<1x4x4x128x128xf32, #tpu.memory_space<vmem>>
    %dma_start3A_89 = tpu.memref_squeeze %dma_start3A_88 : memref<1x4x4x128x128xf32, #tpu.memory_space<vmem>> -> memref<4x4x128x128xf32, #tpu.memory_space<vmem>>
    %dma_start3A_90 = arith.constant 8 : i32
    %dma_start3A_91 = arith.constant 0 : i32
    %dma_start3A_92 = arith.constant 0 : i32
    %dma_start3A_93 = arith.constant 0 : i32
    %dma_start3A_94 = tpu.memref_slice %arg3[%dma_start3A_90, %dma_start3A_91, %dma_start3A_92, %dma_start3A_93] : memref<256x4x128x128xf32, #tpu.memory_space<hbm>> -> memref<4x4x128x128xf32, #tpu.memory_space<hbm>>
    tpu.enqueue_dma source(%dma_start3A_94 : memref<4x4x128x128xf32, #tpu.memory_space<hbm>>) target(%dma_start3A_89 : memref<4x4x128x128xf32, #tpu.memory_space<vmem>>) target_semaphore(%dma_start3A_83 : memref<!tpu.dma_semaphore, #tpu.memory_space<semaphore_mem>>)
    %dma_start3A_95 = arith.constant 3 : i32
    %dma_start3A_96 = arith.constant 3 : i32
    %dma_start3A_97 = arith.constant 0 : i32
    %dma_start3A_98 = tpu.memref_slice %arg9[%dma_start3A_96, %dma_start3A_97] : memref<4x2x!tpu.dma_semaphore, #tpu.memory_space<semaphore_mem>> -> memref<1x1x!tpu.dma_semaphore, #tpu.memory_space<semaphore_mem>>
    %dma_start3A_99 = tpu.memref_squeeze %dma_start3A_98 : memref<1x1x!tpu.dma_semaphore, #tpu.memory_space<semaphore_mem>> -> memref<!tpu.dma_semaphore, #tpu.memory_space<semaphore_mem>>
    %dma_start3A_100 = arith.constant 0 : i32
    %dma_start3A_101 = arith.constant 0 : i32
    %dma_start3A_102 = arith.constant 0 : i32
    %dma_start3A_103 = arith.constant 0 : i32
    %dma_start3A_104 = tpu.memref_slice %arg6[%dma_start3A_95, %dma_start3A_100, %dma_start3A_101, %dma_start3A_102, %dma_start3A_103] : memref<4x4x4x128x128xf32, #tpu.memory_space<vmem>> -> memref<1x4x4x128x128xf32, #tpu.memory_space<vmem>>
    %dma_start3A_105 = tpu.memref_squeeze %dma_start3A_104 : memref<1x4x4x128x128xf32, #tpu.memory_space<vmem>> -> memref<4x4x128x128xf32, #tpu.memory_space<vmem>>
    %dma_start3A_106 = arith.constant 12 : i32
    %dma_start3A_107 = arith.constant 0 : i32
    %dma_start3A_108 = arith.constant 0 : i32
    %dma_start3A_109 = arith.constant 0 : i32
    %dma_start3A_110 = tpu.memref_slice %arg2[%dma_start3A_106, %dma_start3A_107, %dma_start3A_108, %dma_start3A_109] : memref<256x4x128x128xf32, #tpu.memory_space<hbm>> -> memref<4x4x128x128xf32, #tpu.memory_space<hbm>>
    tpu.enqueue_dma source(%dma_start3A_110 : memref<4x4x128x128xf32, #tpu.memory_space<hbm>>) target(%dma_start3A_105 : memref<4x4x128x128xf32, #tpu.memory_space<vmem>>) target_semaphore(%dma_start3A_99 : memref<!tpu.dma_semaphore, #tpu.memory_space<semaphore_mem>>)
    %dma_start3A_111 = arith.constant 3 : i32
    %dma_start3A_112 = arith.constant 3 : i32
    %dma_start3A_113 = arith.constant 1 : i32
    %dma_start3A_114 = tpu.memref_slice %arg9[%dma_start3A_112, %dma_start3A_113] : memref<4x2x!tpu.dma_semaphore, #tpu.memory_space<semaphore_mem>> -> memref<1x1x!tpu.dma_semaphore, #tpu.memory_space<semaphore_mem>>
    %dma_start3A_115 = tpu.memref_squeeze %dma_start3A_114 : memref<1x1x!tpu.dma_semaphore, #tpu.memory_space<semaphore_mem>> -> memref<!tpu.dma_semaphore, #tpu.memory_space<semaphore_mem>>
    %dma_start3A_116 = arith.constant 0 : i32
    %dma_start3A_117 = arith.constant 0 : i32
    %dma_start3A_118 = arith.constant 0 : i32
    %dma_start3A_119 = arith.constant 0 : i32
    %dma_start3A_120 = tpu.memref_slice %arg7[%dma_start3A_111, %dma_start3A_116, %dma_start3A_117, %dma_start3A_118, %dma_start3A_119] : memref<4x4x4x128x128xf32, #tpu.memory_space<vmem>> -> memref<1x4x4x128x128xf32, #tpu.memory_space<vmem>>
    %dma_start3A_121 = tpu.memref_squeeze %dma_start3A_120 : memref<1x4x4x128x128xf32, #tpu.memory_space<vmem>> -> memref<4x4x128x128xf32, #tpu.memory_space<vmem>>
    %dma_start3A_122 = arith.constant 12 : i32
    %dma_start3A_123 = arith.constant 0 : i32
    %dma_start3A_124 = arith.constant 0 : i32
    %dma_start3A_125 = arith.constant 0 : i32
    %dma_start3A_126 = tpu.memref_slice %arg3[%dma_start3A_122, %dma_start3A_123, %dma_start3A_124, %dma_start3A_125] : memref<256x4x128x128xf32, #tpu.memory_space<hbm>> -> memref<4x4x128x128xf32, #tpu.memory_space<hbm>>
    tpu.enqueue_dma source(%dma_start3A_126 : memref<4x4x128x128xf32, #tpu.memory_space<hbm>>) target(%dma_start3A_121 : memref<4x4x128x128xf32, #tpu.memory_space<vmem>>) target_semaphore(%dma_start3A_115 : memref<!tpu.dma_semaphore, #tpu.memory_space<semaphore_mem>>)
    %scan3A = arith.constant 0 : i32
    %scan3A_127 = arith.constant 24 : i32
    %scan3A_128 = arith.addi %scan3A, %scan3A_127 : i32
    %scan3A_129 = arith.constant 1 : i32
    scf.for %scan3A_190 = %scan3A to %scan3A_128 step %scan3A_129  : i32 {
      %rem3A = arith.constant 4 : i32
      %rem3A_191 = arith.remsi %scan3A_190, %rem3A : i32
      %mul3A = arith.constant 4 : i32
      %mul3A_192 = arith.muli %scan3A_190, %mul3A : i32
      %add3A = arith.constant 0 : i32
      %add3A_193 = arith.addi %add3A, %mul3A_192 : i32
      %ge3A = arith.constant 4 : i32
      %ge3A_194 = arith.cmpi sge, %scan3A_190, %ge3A : i32
      %convert_element_type3A = arith.extui %ge3A_194 : i1 to i32
      %cond3A = arith.constant 0 : i32
      %cond3A_195 = arith.cmpi ne, %convert_element_type3A, %cond3A : i32
      scf.if %cond3A_195 {
        %sub3A = arith.constant 4 : i32
        %sub3A_370 = arith.subi %scan3A_190, %sub3A : i32
        %mul3A_371 = arith.constant 4 : i32
        %mul3A_372 = arith.muli %sub3A_370, %mul3A_371 : i32
        %add3A_373 = arith.constant 0 : i32
        %add3A_374 = arith.addi %add3A_373, %mul3A_372 : i32
        %dma_wait3A_375 = tpu.memref_slice %arg10[%rem3A_191] : memref<4x!tpu.dma_semaphore, #tpu.memory_space<semaphore_mem>> -> memref<1x!tpu.dma_semaphore, #tpu.memory_space<semaphore_mem>>
        %dma_wait3A_376 = tpu.memref_squeeze %dma_wait3A_375 : memref<1x!tpu.dma_semaphore, #tpu.memory_space<semaphore_mem>> -> memref<!tpu.dma_semaphore, #tpu.memory_space<semaphore_mem>>
        %dma_wait3A_377 = arith.constant 0 : i32
        %dma_wait3A_378 = arith.constant 0 : i32
        %dma_wait3A_379 = arith.constant 0 : i32
        %dma_wait3A_380 = tpu.memref_slice %arg5[%add3A_374, %dma_wait3A_377, %dma_wait3A_378, %dma_wait3A_379] : memref<256x4x128x128xf32, #tpu.memory_space<hbm>> -> memref<4x4x128x128xf32, #tpu.memory_space<hbm>>
        %dma_wait3A_381 = arith.constant 0 : i32
        %dma_wait3A_382 = arith.constant 0 : i32
        %dma_wait3A_383 = arith.constant 0 : i32
        %dma_wait3A_384 = arith.constant 0 : i32
        %dma_wait3A_385 = tpu.memref_slice %arg8[%rem3A_191, %dma_wait3A_381, %dma_wait3A_382, %dma_wait3A_383, %dma_wait3A_384] : memref<4x4x4x128x128xf32, #tpu.memory_space<vmem>> -> memref<1x4x4x128x128xf32, #tpu.memory_space<vmem>>
        %dma_wait3A_386 = tpu.memref_squeeze %dma_wait3A_385 : memref<1x4x4x128x128xf32, #tpu.memory_space<vmem>> -> memref<4x4x128x128xf32, #tpu.memory_space<vmem>>
        tpu.wait_dma2 semaphore(%dma_wait3A_376 : memref<!tpu.dma_semaphore, #tpu.memory_space<semaphore_mem>>) src(%dma_wait3A_386 : memref<4x4x128x128xf32, #tpu.memory_space<vmem>>) dst(%dma_wait3A_380 : memref<4x4x128x128xf32, #tpu.memory_space<hbm>>)
      } else {
      }
      %dma_wait3A_196 = arith.constant 0 : i32
      %dma_wait3A_197 = tpu.memref_slice %arg9[%rem3A_191, %dma_wait3A_196] : memref<4x2x!tpu.dma_semaphore, #tpu.memory_space<semaphore_mem>> -> memref<1x1x!tpu.dma_semaphore, #tpu.memory_space<semaphore_mem>>
      %dma_wait3A_198 = tpu.memref_squeeze %dma_wait3A_197 : memref<1x1x!tpu.dma_semaphore, #tpu.memory_space<semaphore_mem>> -> memref<!tpu.dma_semaphore, #tpu.memory_space<semaphore_mem>>
      %dma_wait3A_199 = arith.constant 0 : i32
      %dma_wait3A_200 = arith.constant 0 : i32
      %dma_wait3A_201 = arith.constant 0 : i32
      %dma_wait3A_202 = arith.constant 0 : i32
      %dma_wait3A_203 = tpu.memref_slice %arg6[%rem3A_191, %dma_wait3A_199, %dma_wait3A_200, %dma_wait3A_201, %dma_wait3A_202] : memref<4x4x4x128x128xf32, #tpu.memory_space<vmem>> -> memref<1x4x4x128x128xf32, #tpu.memory_space<vmem>>
      %dma_wait3A_204 = tpu.memref_squeeze %dma_wait3A_203 : memref<1x4x4x128x128xf32, #tpu.memory_space<vmem>> -> memref<4x4x128x128xf32, #tpu.memory_space<vmem>>
      %dma_wait3A_205 = arith.constant 0 : i32
      %dma_wait3A_206 = arith.constant 0 : i32
      %dma_wait3A_207 = arith.constant 0 : i32
      %dma_wait3A_208 = tpu.memref_slice %arg2[%add3A_193, %dma_wait3A_205, %dma_wait3A_206, %dma_wait3A_207] : memref<256x4x128x128xf32, #tpu.memory_space<hbm>> -> memref<4x4x128x128xf32, #tpu.memory_space<hbm>>
      tpu.wait_dma2 semaphore(%dma_wait3A_198 : memref<!tpu.dma_semaphore, #tpu.memory_space<semaphore_mem>>) src(%dma_wait3A_208 : memref<4x4x128x128xf32, #tpu.memory_space<hbm>>) dst(%dma_wait3A_204 : memref<4x4x128x128xf32, #tpu.memory_space<vmem>>)
      %dma_wait3A_209 = arith.constant 1 : i32
      %dma_wait3A_210 = tpu.memref_slice %arg9[%rem3A_191, %dma_wait3A_209] : memref<4x2x!tpu.dma_semaphore, #tpu.memory_space<semaphore_mem>> -> memref<1x1x!tpu.dma_semaphore, #tpu.memory_space<semaphore_mem>>
      %dma_wait3A_211 = tpu.memref_squeeze %dma_wait3A_210 : memref<1x1x!tpu.dma_semaphore, #tpu.memory_space<semaphore_mem>> -> memref<!tpu.dma_semaphore, #tpu.memory_space<semaphore_mem>>
      %dma_wait3A_212 = arith.constant 0 : i32
      %dma_wait3A_213 = arith.constant 0 : i32
      %dma_wait3A_214 = arith.constant 0 : i32
      %dma_wait3A_215 = arith.constant 0 : i32
      %dma_wait3A_216 = tpu.memref_slice %arg7[%rem3A_191, %dma_wait3A_212, %dma_wait3A_213, %dma_wait3A_214, %dma_wait3A_215] : memref<4x4x4x128x128xf32, #tpu.memory_space<vmem>> -> memref<1x4x4x128x128xf32, #tpu.memory_space<vmem>>
      %dma_wait3A_217 = tpu.memref_squeeze %dma_wait3A_216 : memref<1x4x4x128x128xf32, #tpu.memory_space<vmem>> -> memref<4x4x128x128xf32, #tpu.memory_space<vmem>>
      %dma_wait3A_218 = arith.constant 0 : i32
      %dma_wait3A_219 = arith.constant 0 : i32
      %dma_wait3A_220 = arith.constant 0 : i32
      %dma_wait3A_221 = tpu.memref_slice %arg3[%add3A_193, %dma_wait3A_218, %dma_wait3A_219, %dma_wait3A_220] : memref<256x4x128x128xf32, #tpu.memory_space<hbm>> -> memref<4x4x128x128xf32, #tpu.memory_space<hbm>>
      tpu.wait_dma2 semaphore(%dma_wait3A_211 : memref<!tpu.dma_semaphore, #tpu.memory_space<semaphore_mem>>) src(%dma_wait3A_221 : memref<4x4x128x128xf32, #tpu.memory_space<hbm>>) dst(%dma_wait3A_217 : memref<4x4x128x128xf32, #tpu.memory_space<vmem>>)
      %add3A_222 = arith.constant 0 : i32
      %add3A_223 = arith.addi %add3A_193, %add3A_222 : i32
      %get3A = arith.index_cast %add3A_223 : i32 to index
      %get3A_224 = memref.load %arg0[%get3A] : memref<256xf32, #tpu.memory_space<smem>>
      %get3A_225 = arith.index_cast %add3A_223 : i32 to index
      %get3A_226 = memref.load %arg1[%get3A_225] : memref<256xf32, #tpu.memory_space<smem>>
      %get3A_227 = arith.index_cast %rem3A_191 : i32 to index
      %get3A_228 = arith.constant 0 : index
      %get3A_229 = arith.constant 0 : index
      %get3A_230 = arith.constant 0 : index
      %get3A_231 = arith.constant 0 : index
      %get3A_232 = vector.load %arg6[%get3A_227, %get3A_228, %get3A_229, %get3A_230, %get3A_231] : memref<4x4x4x128x128xf32, #tpu.memory_space<vmem>>, vector<1x1x4x128x128xf32>
      %get3A_233 = vector.shape_cast %get3A_232 : vector<1x1x4x128x128xf32> to vector<4x128x128xf32>
      %mul3A_234 = vector.broadcast %get3A_224 : f32 to vector<4x128x128xf32>
      %mul3A_235 = arith.mulf %mul3A_234, %get3A_233 : vector<4x128x128xf32>
      %get3A_236 = arith.index_cast %rem3A_191 : i32 to index
      %get3A_237 = arith.constant 0 : index
      %get3A_238 = arith.constant 0 : index
      %get3A_239 = arith.constant 0 : index
      %get3A_240 = arith.constant 0 : index
      %get3A_241 = vector.load %arg7[%get3A_236, %get3A_237, %get3A_238, %get3A_239, %get3A_240] : memref<4x4x4x128x128xf32, #tpu.memory_space<vmem>>, vector<1x1x4x128x128xf32>
      %get3A_242 = vector.shape_cast %get3A_241 : vector<1x1x4x128x128xf32> to vector<4x128x128xf32>
      %mul3A_243 = vector.broadcast %get3A_226 : f32 to vector<4x128x128xf32>
      %mul3A_244 = arith.mulf %mul3A_243, %get3A_242 : vector<4x128x128xf32>
      %add3A_245 = arith.addf %mul3A_235, %mul3A_244 : vector<4x128x128xf32>
      %swap3A = arith.index_cast %rem3A_191 : i32 to index
      %swap3A_246 = arith.constant 0 : index
      %swap3A_247 = arith.constant 0 : index
      %swap3A_248 = arith.constant 0 : index
      %swap3A_249 = arith.constant 0 : index
      %swap3A_250 = vector.load %arg8[%swap3A, %swap3A_246, %swap3A_247, %swap3A_248, %swap3A_249] : memref<4x4x4x128x128xf32, #tpu.memory_space<vmem>>, vector<1x1x4x128x128xf32>
      %swap3A_251 = vector.shape_cast %swap3A_250 : vector<1x1x4x128x128xf32> to vector<4x128x128xf32>
      %swap3A_252 = vector.shape_cast %add3A_245 : vector<4x128x128xf32> to vector<1x1x4x128x128xf32>
      tpu.vector_store %arg8[%swap3A, %swap3A_246, %swap3A_247, %swap3A_248, %swap3A_249], %swap3A_252 {strides = array<i32>} : memref<4x4x4x128x128xf32, #tpu.memory_space<vmem>>, vector<1x1x4x128x128xf32>,
      %add3A_253 = arith.constant 1 : i32
      %add3A_254 = arith.addi %add3A_193, %add3A_253 : i32
      %get3A_255 = arith.index_cast %add3A_254 : i32 to index
      %get3A_256 = memref.load %arg0[%get3A_255] : memref<256xf32, #tpu.memory_space<smem>>
      %get3A_257 = arith.index_cast %add3A_254 : i32 to index
      %get3A_258 = memref.load %arg1[%get3A_257] : memref<256xf32, #tpu.memory_space<smem>>
      %get3A_259 = arith.index_cast %rem3A_191 : i32 to index
      %get3A_260 = arith.constant 1 : index
      %get3A_261 = arith.constant 0 : index
      %get3A_262 = arith.constant 0 : index
      %get3A_263 = arith.constant 0 : index
      %get3A_264 = vector.load %arg6[%get3A_259, %get3A_260, %get3A_261, %get3A_262, %get3A_263] : memref<4x4x4x128x128xf32, #tpu.memory_space<vmem>>, vector<1x1x4x128x128xf32>
      %get3A_265 = vector.shape_cast %get3A_264 : vector<1x1x4x128x128xf32> to vector<4x128x128xf32>
      %mul3A_266 = vector.broadcast %get3A_256 : f32 to vector<4x128x128xf32>
      %mul3A_267 = arith.mulf %mul3A_266, %get3A_265 : vector<4x128x128xf32>
      %get3A_268 = arith.index_cast %rem3A_191 : i32 to index
      %get3A_269 = arith.constant 1 : index
      %get3A_270 = arith.constant 0 : index
      %get3A_271 = arith.constant 0 : index
      %get3A_272 = arith.constant 0 : index
      %get3A_273 = vector.load %arg7[%get3A_268, %get3A_269, %get3A_270, %get3A_271, %get3A_272] : memref<4x4x4x128x128xf32, #tpu.memory_space<vmem>>, vector<1x1x4x128x128xf32>
      %get3A_274 = vector.shape_cast %get3A_273 : vector<1x1x4x128x128xf32> to vector<4x128x128xf32>
      %mul3A_275 = vector.broadcast %get3A_258 : f32 to vector<4x128x128xf32>
      %mul3A_276 = arith.mulf %mul3A_275, %get3A_274 : vector<4x128x128xf32>
      %add3A_277 = arith.addf %mul3A_267, %mul3A_276 : vector<4x128x128xf32>
      %swap3A_278 = arith.index_cast %rem3A_191 : i32 to index
      %swap3A_279 = arith.constant 1 : index
      %swap3A_280 = arith.constant 0 : index
      %swap3A_281 = arith.constant 0 : index
      %swap3A_282 = arith.constant 0 : index
      %swap3A_283 = vector.load %arg8[%swap3A_278, %swap3A_279, %swap3A_280, %swap3A_281, %swap3A_282] : memref<4x4x4x128x128xf32, #tpu.memory_space<vmem>>, vector<1x1x4x128x128xf32>
      %swap3A_284 = vector.shape_cast %swap3A_283 : vector<1x1x4x128x128xf32> to vector<4x128x128xf32>
      %swap3A_285 = vector.shape_cast %add3A_277 : vector<4x128x128xf32> to vector<1x1x4x128x128xf32>
      tpu.vector_store %arg8[%swap3A_278, %swap3A_279, %swap3A_280, %swap3A_281, %swap3A_282], %swap3A_285 {strides = array<i32>} : memref<4x4x4x128x128xf32, #tpu.memory_space<vmem>>, vector<1x1x4x128x128xf32>,
      %add3A_286 = arith.constant 2 : i32
      %add3A_287 = arith.addi %add3A_193, %add3A_286 : i32
      %get3A_288 = arith.index_cast %add3A_287 : i32 to index
      %get3A_289 = memref.load %arg0[%get3A_288] : memref<256xf32, #tpu.memory_space<smem>>
      %get3A_290 = arith.index_cast %add3A_287 : i32 to index
      %get3A_291 = memref.load %arg1[%get3A_290] : memref<256xf32, #tpu.memory_space<smem>>
      %get3A_292 = arith.index_cast %rem3A_191 : i32 to index
      %get3A_293 = arith.constant 2 : index
      %get3A_294 = arith.constant 0 : index
      %get3A_295 = arith.constant 0 : index
      %get3A_296 = arith.constant 0 : index
      %get3A_297 = vector.load %arg6[%get3A_292, %get3A_293, %get3A_294, %get3A_295, %get3A_296] : memref<4x4x4x128x128xf32, #tpu.memory_space<vmem>>, vector<1x1x4x128x128xf32>
      %get3A_298 = vector.shape_cast %get3A_297 : vector<1x1x4x128x128xf32> to vector<4x128x128xf32>
      %mul3A_299 = vector.broadcast %get3A_289 : f32 to vector<4x128x128xf32>
      %mul3A_300 = arith.mulf %mul3A_299, %get3A_298 : vector<4x128x128xf32>
      %get3A_301 = arith.index_cast %rem3A_191 : i32 to index
      %get3A_302 = arith.constant 2 : index
      %get3A_303 = arith.constant 0 : index
      %get3A_304 = arith.constant 0 : index
      %get3A_305 = arith.constant 0 : index
      %get3A_306 = vector.load %arg7[%get3A_301, %get3A_302, %get3A_303, %get3A_304, %get3A_305] : memref<4x4x4x128x128xf32, #tpu.memory_space<vmem>>, vector<1x1x4x128x128xf32>
      %get3A_307 = vector.shape_cast %get3A_306 : vector<1x1x4x128x128xf32> to vector<4x128x128xf32>
      %mul3A_308 = vector.broadcast %get3A_291 : f32 to vector<4x128x128xf32>
      %mul3A_309 = arith.mulf %mul3A_308, %get3A_307 : vector<4x128x128xf32>
      %add3A_310 = arith.addf %mul3A_300, %mul3A_309 : vector<4x128x128xf32>
      %swap3A_311 = arith.index_cast %rem3A_191 : i32 to index
      %swap3A_312 = arith.constant 2 : index
      %swap3A_313 = arith.constant 0 : index
      %swap3A_314 = arith.constant 0 : index
      %swap3A_315 = arith.constant 0 : index
      %swap3A_316 = vector.load %arg8[%swap3A_311, %swap3A_312, %swap3A_313, %swap3A_314, %swap3A_315] : memref<4x4x4x128x128xf32, #tpu.memory_space<vmem>>, vector<1x1x4x128x128xf32>
      %swap3A_317 = vector.shape_cast %swap3A_316 : vector<1x1x4x128x128xf32> to vector<4x128x128xf32>
      %swap3A_318 = vector.shape_cast %add3A_310 : vector<4x128x128xf32> to vector<1x1x4x128x128xf32>
      tpu.vector_store %arg8[%swap3A_311, %swap3A_312, %swap3A_313, %swap3A_314, %swap3A_315], %swap3A_318 {strides = array<i32>} : memref<4x4x4x128x128xf32, #tpu.memory_space<vmem>>, vector<1x1x4x128x128xf32>,
      %add3A_319 = arith.constant 3 : i32
      %add3A_320 = arith.addi %add3A_193, %add3A_319 : i32
      %get3A_321 = arith.index_cast %add3A_320 : i32 to index
      %get3A_322 = memref.load %arg0[%get3A_321] : memref<256xf32, #tpu.memory_space<smem>>
      %get3A_323 = arith.index_cast %add3A_320 : i32 to index
      %get3A_324 = memref.load %arg1[%get3A_323] : memref<256xf32, #tpu.memory_space<smem>>
      %get3A_325 = arith.index_cast %rem3A_191 : i32 to index
      %get3A_326 = arith.constant 3 : index
      %get3A_327 = arith.constant 0 : index
      %get3A_328 = arith.constant 0 : index
      %get3A_329 = arith.constant 0 : index
      %get3A_330 = vector.load %arg6[%get3A_325, %get3A_326, %get3A_327, %get3A_328, %get3A_329] : memref<4x4x4x128x128xf32, #tpu.memory_space<vmem>>, vector<1x1x4x128x128xf32>
      %get3A_331 = vector.shape_cast %get3A_330 : vector<1x1x4x128x128xf32> to vector<4x128x128xf32>
      %mul3A_332 = vector.broadcast %get3A_322 : f32 to vector<4x128x128xf32>
      %mul3A_333 = arith.mulf %mul3A_332, %get3A_331 : vector<4x128x128xf32>
      %get3A_334 = arith.index_cast %rem3A_191 : i32 to index
      %get3A_335 = arith.constant 3 : index
      %get3A_336 = arith.constant 0 : index
      %get3A_337 = arith.constant 0 : index
      %get3A_338 = arith.constant 0 : index
      %get3A_339 = vector.load %arg7[%get3A_334, %get3A_335, %get3A_336, %get3A_337, %get3A_338] : memref<4x4x4x128x128xf32, #tpu.memory_space<vmem>>, vector<1x1x4x128x128xf32>
      %get3A_340 = vector.shape_cast %get3A_339 : vector<1x1x4x128x128xf32> to vector<4x128x128xf32>
      %mul3A_341 = vector.broadcast %get3A_324 : f32 to vector<4x128x128xf32>
      %mul3A_342 = arith.mulf %mul3A_341, %get3A_340 : vector<4x128x128xf32>
      %add3A_343 = arith.addf %mul3A_333, %mul3A_342 : vector<4x128x128xf32>
      %swap3A_344 = arith.index_cast %rem3A_191 : i32 to index
      %swap3A_345 = arith.constant 3 : index
      %swap3A_346 = arith.constant 0 : index
      %swap3A_347 = arith.constant 0 : index
      %swap3A_348 = arith.constant 0 : index
      %swap3A_349 = vector.load %arg8[%swap3A_344, %swap3A_345, %swap3A_346, %swap3A_347, %swap3A_348] : memref<4x4x4x128x128xf32, #tpu.memory_space<vmem>>, vector<1x1x4x128x128xf32>
      %swap3A_350 = vector.shape_cast %swap3A_349 : vector<1x1x4x128x128xf32> to vector<4x128x128xf32>
      %swap3A_351 = vector.shape_cast %add3A_343 : vector<4x128x128xf32> to vector<1x1x4x128x128xf32>
      tpu.vector_store %arg8[%swap3A_344, %swap3A_345, %swap3A_346, %swap3A_347, %swap3A_348], %swap3A_351 {strides = array<i32>} : memref<4x4x4x128x128xf32, #tpu.memory_space<vmem>>, vector<1x1x4x128x128xf32>,
      %dma_start3A_352 = tpu.memref_slice %arg10[%rem3A_191] : memref<4x!tpu.dma_semaphore, #tpu.memory_space<semaphore_mem>> -> memref<1x!tpu.dma_semaphore, #tpu.memory_space<semaphore_mem>>
      %dma_start3A_353 = tpu.memref_squeeze %dma_start3A_352 : memref<1x!tpu.dma_semaphore, #tpu.memory_space<semaphore_mem>> -> memref<!tpu.dma_semaphore, #tpu.memory_space<semaphore_mem>>
      %dma_start3A_354 = arith.constant 0 : i32
      %dma_start3A_355 = arith.constant 0 : i32
      %dma_start3A_356 = arith.constant 0 : i32
      %dma_start3A_357 = tpu.memref_slice %arg5[%add3A_193, %dma_start3A_354, %dma_start3A_355, %dma_start3A_356] : memref<256x4x128x128xf32, #tpu.memory_space<hbm>> -> memref<4x4x128x128xf32, #tpu.memory_space<hbm>>
      %dma_start3A_358 = arith.constant 0 : i32
      %dma_start3A_359 = arith.constant 0 : i32
      %dma_start3A_360 = arith.constant 0 : i32
      %dma_start3A_361 = arith.constant 0 : i32
      %dma_start3A_362 = tpu.memref_slice %arg8[%rem3A_191, %dma_start3A_358, %dma_start3A_359, %dma_start3A_360, %dma_start3A_361] : memref<4x4x4x128x128xf32, #tpu.memory_space<vmem>> -> memref<1x4x4x128x128xf32, #tpu.memory_space<vmem>>
      %dma_start3A_363 = tpu.memref_squeeze %dma_start3A_362 : memref<1x4x4x128x128xf32, #tpu.memory_space<vmem>> -> memref<4x4x128x128xf32, #tpu.memory_space<vmem>>
      tpu.enqueue_dma source(%dma_start3A_363 : memref<4x4x128x128xf32, #tpu.memory_space<vmem>>) target(%dma_start3A_357 : memref<4x4x128x128xf32, #tpu.memory_space<hbm>>) target_semaphore(%dma_start3A_353 : memref<!tpu.dma_semaphore, #tpu.memory_space<semaphore_mem>>)
      %add3A_364 = arith.constant 4 : i32
      %add3A_365 = arith.addi %scan3A_190, %add3A_364 : i32
      %lt3A = arith.constant 24 : i32
      %lt3A_366 = arith.cmpi slt, %add3A_365, %lt3A : i32
      %convert_element_type3A_367 = arith.extui %lt3A_366 : i1 to i32
      %cond3A_368 = arith.constant 0 : i32
      %cond3A_369 = arith.cmpi ne, %convert_element_type3A_367, %cond3A_368 : i32
      scf.if %cond3A_369 {
        %add3A_370 = arith.constant 4 : i32
        %add3A_371 = arith.addi %scan3A_190, %add3A_370 : i32
        %mul3A_372 = arith.constant 4 : i32
        %mul3A_373 = arith.muli %add3A_371, %mul3A_372 : i32
        %add3A_374 = arith.constant 0 : i32
        %add3A_375 = arith.addi %add3A_374, %mul3A_373 : i32
        %dma_start3A_376 = arith.constant 0 : i32
        %dma_start3A_377 = tpu.memref_slice %arg9[%rem3A_191, %dma_start3A_376] : memref<4x2x!tpu.dma_semaphore, #tpu.memory_space<semaphore_mem>> -> memref<1x1x!tpu.dma_semaphore, #tpu.memory_space<semaphore_mem>>
        %dma_start3A_378 = tpu.memref_squeeze %dma_start3A_377 : memref<1x1x!tpu.dma_semaphore, #tpu.memory_space<semaphore_mem>> -> memref<!tpu.dma_semaphore, #tpu.memory_space<semaphore_mem>>
        %dma_start3A_379 = arith.constant 0 : i32
        %dma_start3A_380 = arith.constant 0 : i32
        %dma_start3A_381 = arith.constant 0 : i32
        %dma_start3A_382 = arith.constant 0 : i32
        %dma_start3A_383 = tpu.memref_slice %arg6[%rem3A_191, %dma_start3A_379, %dma_start3A_380, %dma_start3A_381, %dma_start3A_382] : memref<4x4x4x128x128xf32, #tpu.memory_space<vmem>> -> memref<1x4x4x128x128xf32, #tpu.memory_space<vmem>>
        %dma_start3A_384 = tpu.memref_squeeze %dma_start3A_383 : memref<1x4x4x128x128xf32, #tpu.memory_space<vmem>> -> memref<4x4x128x128xf32, #tpu.memory_space<vmem>>
        %dma_start3A_385 = arith.constant 0 : i32
        %dma_start3A_386 = arith.constant 0 : i32
        %dma_start3A_387 = arith.constant 0 : i32
        %dma_start3A_388 = tpu.memref_slice %arg2[%add3A_375, %dma_start3A_385, %dma_start3A_386, %dma_start3A_387] : memref<256x4x128x128xf32, #tpu.memory_space<hbm>> -> memref<4x4x128x128xf32, #tpu.memory_space<hbm>>
        tpu.enqueue_dma source(%dma_start3A_388 : memref<4x4x128x128xf32, #tpu.memory_space<hbm>>) target(%dma_start3A_384 : memref<4x4x128x128xf32, #tpu.memory_space<vmem>>) target_semaphore(%dma_start3A_378 : memref<!tpu.dma_semaphore, #tpu.memory_space<semaphore_mem>>)
        %dma_start3A_389 = arith.constant 1 : i32
        %dma_start3A_390 = tpu.memref_slice %arg9[%rem3A_191, %dma_start3A_389] : memref<4x2x!tpu.dma_semaphore, #tpu.memory_space<semaphore_mem>> -> memref<1x1x!tpu.dma_semaphore, #tpu.memory_space<semaphore_mem>>
        %dma_start3A_391 = tpu.memref_squeeze %dma_start3A_390 : memref<1x1x!tpu.dma_semaphore, #tpu.memory_space<semaphore_mem>> -> memref<!tpu.dma_semaphore, #tpu.memory_space<semaphore_mem>>
        %dma_start3A_392 = arith.constant 0 : i32
        %dma_start3A_393 = arith.constant 0 : i32
        %dma_start3A_394 = arith.constant 0 : i32
        %dma_start3A_395 = arith.constant 0 : i32
        %dma_start3A_396 = tpu.memref_slice %arg7[%rem3A_191, %dma_start3A_392, %dma_start3A_393, %dma_start3A_394, %dma_start3A_395] : memref<4x4x4x128x128xf32, #tpu.memory_space<vmem>> -> memref<1x4x4x128x128xf32, #tpu.memory_space<vmem>>
        %dma_start3A_397 = tpu.memref_squeeze %dma_start3A_396 : memref<1x4x4x128x128xf32, #tpu.memory_space<vmem>> -> memref<4x4x128x128xf32, #tpu.memory_space<vmem>>
        %dma_start3A_398 = arith.constant 0 : i32
        %dma_start3A_399 = arith.constant 0 : i32
        %dma_start3A_400 = arith.constant 0 : i32
        %dma_start3A_401 = tpu.memref_slice %arg3[%add3A_375, %dma_start3A_398, %dma_start3A_399, %dma_start3A_400] : memref<256x4x128x128xf32, #tpu.memory_space<hbm>> -> memref<4x4x128x128xf32, #tpu.memory_space<hbm>>
        tpu.enqueue_dma source(%dma_start3A_401 : memref<4x4x128x128xf32, #tpu.memory_space<hbm>>) target(%dma_start3A_397 : memref<4x4x128x128xf32, #tpu.memory_space<vmem>>) target_semaphore(%dma_start3A_391 : memref<!tpu.dma_semaphore, #tpu.memory_space<semaphore_mem>>)
      } else {
      }
    }
    %scan3A_130 = arith.constant 24 : i32
    %dma_wait3A = arith.constant 0 : i32
    %dma_wait3A_131 = arith.constant 0 : i32
    %dma_wait3A_132 = tpu.memref_slice %arg10[%dma_wait3A_131] : memref<4x!tpu.dma_semaphore, #tpu.memory_space<semaphore_mem>> -> memref<1x!tpu.dma_semaphore, #tpu.memory_space<semaphore_mem>>
    %dma_wait3A_133 = tpu.memref_squeeze %dma_wait3A_132 : memref<1x!tpu.dma_semaphore, #tpu.memory_space<semaphore_mem>> -> memref<!tpu.dma_semaphore, #tpu.memory_space<semaphore_mem>>
    %dma_wait3A_134 = arith.constant 80 : i32
    %dma_wait3A_135 = arith.constant 0 : i32
    %dma_wait3A_136 = arith.constant 0 : i32
    %dma_wait3A_137 = arith.constant 0 : i32
    %dma_wait3A_138 = tpu.memref_slice %arg5[%dma_wait3A_134, %dma_wait3A_135, %dma_wait3A_136, %dma_wait3A_137] : memref<256x4x128x128xf32, #tpu.memory_space<hbm>> -> memref<4x4x128x128xf32, #tpu.memory_space<hbm>>
    %dma_wait3A_139 = arith.constant 0 : i32
    %dma_wait3A_140 = arith.constant 0 : i32
    %dma_wait3A_141 = arith.constant 0 : i32
    %dma_wait3A_142 = arith.constant 0 : i32
    %dma_wait3A_143 = tpu.memref_slice %arg8[%dma_wait3A, %dma_wait3A_139, %dma_wait3A_140, %dma_wait3A_141, %dma_wait3A_142] : memref<4x4x4x128x128xf32, #tpu.memory_space<vmem>> -> memref<1x4x4x128x128xf32, #tpu.memory_space<vmem>>
    %dma_wait3A_144 = tpu.memref_squeeze %dma_wait3A_143 : memref<1x4x4x128x128xf32, #tpu.memory_space<vmem>> -> memref<4x4x128x128xf32, #tpu.memory_space<vmem>>
    tpu.wait_dma2 semaphore(%dma_wait3A_133 : memref<!tpu.dma_semaphore, #tpu.memory_space<semaphore_mem>>) src(%dma_wait3A_144 : memref<4x4x128x128xf32, #tpu.memory_space<vmem>>) dst(%dma_wait3A_138 : memref<4x4x128x128xf32, #tpu.memory_space<hbm>>)
    %dma_wait3A_145 = arith.constant 1 : i32
    %dma_wait3A_146 = arith.constant 1 : i32
    %dma_wait3A_147 = tpu.memref_slice %arg10[%dma_wait3A_146] : memref<4x!tpu.dma_semaphore, #tpu.memory_space<semaphore_mem>> -> memref<1x!tpu.dma_semaphore, #tpu.memory_space<semaphore_mem>>
    %dma_wait3A_148 = tpu.memref_squeeze %dma_wait3A_147 : memref<1x!tpu.dma_semaphore, #tpu.memory_space<semaphore_mem>> -> memref<!tpu.dma_semaphore, #tpu.memory_space<semaphore_mem>>
    %dma_wait3A_149 = arith.constant 84 : i32
    %dma_wait3A_150 = arith.constant 0 : i32
    %dma_wait3A_151 = arith.constant 0 : i32
    %dma_wait3A_152 = arith.constant 0 : i32
    %dma_wait3A_153 = tpu.memref_slice %arg5[%dma_wait3A_149, %dma_wait3A_150, %dma_wait3A_151, %dma_wait3A_152] : memref<256x4x128x128xf32, #tpu.memory_space<hbm>> -> memref<4x4x128x128xf32, #tpu.memory_space<hbm>>
    %dma_wait3A_154 = arith.constant 0 : i32
    %dma_wait3A_155 = arith.constant 0 : i32
    %dma_wait3A_156 = arith.constant 0 : i32
    %dma_wait3A_157 = arith.constant 0 : i32
    %dma_wait3A_158 = tpu.memref_slice %arg8[%dma_wait3A_145, %dma_wait3A_154, %dma_wait3A_155, %dma_wait3A_156, %dma_wait3A_157] : memref<4x4x4x128x128xf32, #tpu.memory_space<vmem>> -> memref<1x4x4x128x128xf32, #tpu.memory_space<vmem>>
    %dma_wait3A_159 = tpu.memref_squeeze %dma_wait3A_158 : memref<1x4x4x128x128xf32, #tpu.memory_space<vmem>> -> memref<4x4x128x128xf32, #tpu.memory_space<vmem>>
    tpu.wait_dma2 semaphore(%dma_wait3A_148 : memref<!tpu.dma_semaphore, #tpu.memory_space<semaphore_mem>>) src(%dma_wait3A_159 : memref<4x4x128x128xf32, #tpu.memory_space<vmem>>) dst(%dma_wait3A_153 : memref<4x4x128x128xf32, #tpu.memory_space<hbm>>)
    %dma_wait3A_160 = arith.constant 2 : i32
    %dma_wait3A_161 = arith.constant 2 : i32
    %dma_wait3A_162 = tpu.memref_slice %arg10[%dma_wait3A_161] : memref<4x!tpu.dma_semaphore, #tpu.memory_space<semaphore_mem>> -> memref<1x!tpu.dma_semaphore, #tpu.memory_space<semaphore_mem>>
    %dma_wait3A_163 = tpu.memref_squeeze %dma_wait3A_162 : memref<1x!tpu.dma_semaphore, #tpu.memory_space<semaphore_mem>> -> memref<!tpu.dma_semaphore, #tpu.memory_space<semaphore_mem>>
    %dma_wait3A_164 = arith.constant 88 : i32
    %dma_wait3A_165 = arith.constant 0 : i32
    %dma_wait3A_166 = arith.constant 0 : i32
    %dma_wait3A_167 = arith.constant 0 : i32
    %dma_wait3A_168 = tpu.memref_slice %arg5[%dma_wait3A_164, %dma_wait3A_165, %dma_wait3A_166, %dma_wait3A_167] : memref<256x4x128x128xf32, #tpu.memory_space<hbm>> -> memref<4x4x128x128xf32, #tpu.memory_space<hbm>>
    %dma_wait3A_169 = arith.constant 0 : i32
    %dma_wait3A_170 = arith.constant 0 : i32
    %dma_wait3A_171 = arith.constant 0 : i32
    %dma_wait3A_172 = arith.constant 0 : i32
    %dma_wait3A_173 = tpu.memref_slice %arg8[%dma_wait3A_160, %dma_wait3A_169, %dma_wait3A_170, %dma_wait3A_171, %dma_wait3A_172] : memref<4x4x4x128x128xf32, #tpu.memory_space<vmem>> -> memref<1x4x4x128x128xf32, #tpu.memory_space<vmem>>
    %dma_wait3A_174 = tpu.memref_squeeze %dma_wait3A_173 : memref<1x4x4x128x128xf32, #tpu.memory_space<vmem>> -> memref<4x4x128x128xf32, #tpu.memory_space<vmem>>
    tpu.wait_dma2 semaphore(%dma_wait3A_163 : memref<!tpu.dma_semaphore, #tpu.memory_space<semaphore_mem>>) src(%dma_wait3A_174 : memref<4x4x128x128xf32, #tpu.memory_space<vmem>>) dst(%dma_wait3A_168 : memref<4x4x128x128xf32, #tpu.memory_space<hbm>>)
    %dma_wait3A_175 = arith.constant 3 : i32
    %dma_wait3A_176 = arith.constant 3 : i32
    %dma_wait3A_177 = tpu.memref_slice %arg10[%dma_wait3A_176] : memref<4x!tpu.dma_semaphore, #tpu.memory_space<semaphore_mem>> -> memref<1x!tpu.dma_semaphore, #tpu.memory_space<semaphore_mem>>
    %dma_wait3A_178 = tpu.memref_squeeze %dma_wait3A_177 : memref<1x!tpu.dma_semaphore, #tpu.memory_space<semaphore_mem>> -> memref<!tpu.dma_semaphore, #tpu.memory_space<semaphore_mem>>
    %dma_wait3A_179 = arith.constant 92 : i32
    %dma_wait3A_180 = arith.constant 0 : i32
    %dma_wait3A_181 = arith.constant 0 : i32
    %dma_wait3A_182 = arith.constant 0 : i32
    %dma_wait3A_183 = tpu.memref_slice %arg5[%dma_wait3A_179, %dma_wait3A_180, %dma_wait3A_181, %dma_wait3A_182] : memref<256x4x128x128xf32, #tpu.memory_space<hbm>> -> memref<4x4x128x128xf32, #tpu.memory_space<hbm>>
    %dma_wait3A_184 = arith.constant 0 : i32
    %dma_wait3A_185 = arith.constant 0 : i32
    %dma_wait3A_186 = arith.constant 0 : i32
    %dma_wait3A_187 = arith.constant 0 : i32
    %dma_wait3A_188 = tpu.memref_slice %arg8[%dma_wait3A_175, %dma_wait3A_184, %dma_wait3A_185, %dma_wait3A_186, %dma_wait3A_187] : memref<4x4x4x128x128xf32, #tpu.memory_space<vmem>> -> memref<1x4x4x128x128xf32, #tpu.memory_space<vmem>>
    %dma_wait3A_189 = tpu.memref_squeeze %dma_wait3A_188 : memref<1x4x4x128x128xf32, #tpu.memory_space<vmem>> -> memref<4x4x128x128xf32, #tpu.memory_space<vmem>>
    tpu.wait_dma2 semaphore(%dma_wait3A_178 : memref<!tpu.dma_semaphore, #tpu.memory_space<semaphore_mem>>) src(%dma_wait3A_189 : memref<4x4x128x128xf32, #tpu.memory_space<vmem>>) dst(%dma_wait3A_183 : memref<4x4x128x128xf32, #tpu.memory_space<hbm>>)
    return
  }
}

</mosaic_0001>

<sc_bundles>
// kernel: kernel.5.cloned.1.call-start
scs
__scs_entry_jumppad:
0x0: {  	(pc) =	sbr.rel $0x88, $3  }
0x1: {  	(tag) =	ssettag $0x0;
	lr =	simm.s32 $0x1  }
0x2: {  	[smem:$0x3F9C] =	sst lr;
	_ =	strace $0xD0000000  }
0x3: {  	_ = 	snop  }
0x4: {  	_ = 	snop  }
0x5: {  	_ = 	snop  }
0x6: {  	_ = 	snop  }
0x7: {  	_ = 	snop  }
__scs_overlays_trampoline_lowered:
0x8: {  	[smem:$0x3FAB] =	sst s0  }
0x9: {  	[smem:$0x3FAC] =	sst s1  }
0xa: {  	[smem:$0x3FAD] =	sst s2  }
0xb: {  	[smem:$0x3FAE] =	sst s3  }
0xc: {  	[smem:$0x3FAF] =	sst s4  }
0xd: {  	[smem:$0x3FB0] =	sst s5  }
0xe: {  	[smem:$0x3FB1] =	sst s6  }
0xf: {  	[smem:$0x3FB2] =	sst s7  }
0x10: {  	[smem:$0x3FB3] =	sst s8  }
0x11: {  	[smem:$0x3FB4] =	sst s9;
	s0 =	simm.s32 @!p0 $0x0  }
0x12: {  	s1 =	sld [smem:$0x3F9A];
	s0 =	simm.s32 @p0 $0x1  }
0x13: {  	[smem:$0x3FB5] =	sst s0;
	s0 =	simm.s32 @!p1 $0x0  }
0x14: {  	s2 =	sld [smem:$0x3F99];
	s0 =	simm.s32 @p1 $0x1  }
0x15: {  	[smem:$0x3FB6] =	sst s0;
	s0 =	simm.s32 @!p2 $0x0  }
0x16: {  	s3 =	sld [smem:$0x3FDB];
	s0 =	simm.s32 @p2 $0x1  }
0x17: {  	s4 =	simm.s32 $0x1BF5;
	[smem:$0x3FB8] =	sst s0  }
0x18: {  	s0 =	sld [smem:$0x3F9B];
	_ =	swait.ge [sflag:s4], $0x0  }
0x19: {  	s7 =	sld [smem:$0x3F9C]  }
0x1a: {  	s8 =	sadd.s32 $0xFFFFE003, lr  }
0x1b: {  	s9 =	sadd.s32 $0xFFFFFEF7, lr;
	s5 =	simm.s32 $0xFFFFFFFF;
	p2 =	slt.u32 s8, $0xFFFFF086  }
0x1c: {  	p1 =	slt.u32 s9, $0xF7A;
	s5 =	simm.s32 @!p2 $0x0  }
0x1d: {  	s5 =	simm.s32 @p1 $0x1;
	p0 =	seq.s32 s7, s2  }
0x1e: {  	s7 =	smul.u32 @!p0 $0xF7A, s2;
	p2 =	seq.s32 @!p0 s5, $0x0  }
0x1f: {  	s9 =	smul.u32 $0xF7A, s1;
	s8 =	simm.s32 @!p0 $0x1BF5;
	p2 =	por !p2, p0  }
0x20: {  	[sflag:s8] =	ssyncset.s32 @!p0 $0xFFFFF086;
	s6 =	sadd.s32 @!p0 s3, s7;
	s7 =	simm.s32 @!p0 $0x108  }
0x21: {  	s3 =	sadd.s32 s3, s9;
	s6 =	sadd.s32 @!p0 $0x88, s6;
	s7 =	simm.s32 @p2 $0x1082  }
0x22: {  	[simem:s7], [sflag:s8] =	dma.local @!p0 [hbm:s6], $0xF7A  }
0x23: {  	s9 =	sor.u32 $0xD0000000, s2;
	s6 =	simm.s32 $0x108;
	_ =	swait.ge @!p0 [sflag:s8], $0x0  }
0x24: {  	s3 =	sadd.s32 $0x88, s3;
	s6 =	simm.s32 @!p1 $0x1082;
	[sflag:s4] =	ssyncset.s32 $0xFFFFF086  }
0x25: {  	[simem:s6], [sflag:s4] =	dma.local [hbm:s3], $0xF7A  }
0x26: {  	[smem:$0x3F9C] =	sst s1;
	(tag) =	ssettag s2;
	_ =	strace s9  }
0x27: {  	s1 =	sld [smem:$0x3FAC]  }
0x28: {  	s2 =	sld [smem:$0x3FAD]  }
0x29: {  	s4 =	sld [smem:$0x3FAF]  }
0x2a: {  	p0 =	seq.s32 s5, $0x0;
	s5 =	sld [smem:$0x3FB0]  }
0x2b: {  	s6 =	sld [smem:$0x3FB1]  }
0x2c: {  	s7 =	sld [smem:$0x3FB2]  }
0x2d: {  	s3 =	simm.s32 $0x108;
	s8 =	sld [smem:$0x3FB3]  }
0x2e: {  	s3 =	simm.s32 @!p0 $0x1082;
	s9 =	sld [smem:$0x3FB4]  }
0x2f: {  	lr =	sadd.s32 s0, s3;
	s0 =	sld [smem:$0x3FAB]  }
0x30: {  	s3 =	sld [smem:$0x3FAE]  }
0x31: {  	[smem:$0x3FB7] =	sst s10  }
0x32: {  	s10 =	sld [smem:$0x3FB5];
	_ =	sdelay $0x3  }
0x33: {  	p0 =	seq.s32 s10, $0x1;
	s10 =	sld [smem:$0x3FB7];
	_ =	sdelay $0x3  }
0x34: {  	[smem:$0x3FB7] =	sst s10  }
0x35: {  	s10 =	sld [smem:$0x3FB6];
	_ =	sdelay $0x3  }
0x36: {  	p1 =	seq.s32 s10, $0x1;
	s10 =	sld [smem:$0x3FB7];
	_ =	sdelay $0x3  }
0x37: {  	[smem:$0x3FB7] =	sst s10  }
0x38: {  	s10 =	sld [smem:$0x3FB8]  }
0x39: {  	_ = 	snop;
	(pc) =	sbr.ind lr, $3  }
0x3a: {  	_ = 	snop  }
0x3b: {  	_ = 	snop  }
0x3c: {  	p2 =	seq.s32 s10, $0x1;
	s10 =	sld [smem:$0x3FB7]  }
0x3d: {  	_ =	shalt  }
0x3e: {  	_ =	shalt  }
0x3f: {  	_ =	shalt  }
0x40: {  	_ =	shalt  }
0x41: {  	_ =	shalt  }
0x42: {  	_ =	shalt  }
0x43: {  	_ =	shalt  }
0x44: {  	_ =	shalt  }
0x45: {  	_ =	shalt  }
0x46: {  	_ =	shalt  }
0x47: {  	_ =	shalt  }
0x48: {  	_ =	shalt  }
0x49: {  	_ =	shalt  }
0x4a: {  	_ =	shalt  }
0x4b: {  	_ =	shalt  }
0x4c: {  	_ =	shalt  }
0x4d: {  	_ =	shalt  }
0x4e: {  	_ =	shalt  }
0x4f: {  	_ =	shalt  }
0x50: {  	_ =	shalt  }
0x51: {  	_ =	shalt  }
0x52: {  	_ =	shalt  }
0x53: {  	_ =	shalt  }
0x54: {  	_ =	shalt  }
0x55: {  	_ =	shalt  }
0x56: {  	_ =	shalt  }
0x57: {  	_ =	shalt  }
0x58: {  	_ =	shalt  }
0x59: {  	_ =	shalt  }
0x5a: {  	_ =	shalt  }
0x5b: {  	_ =	shalt  }
0x5c: {  	_ =	shalt  }
0x5d: {  	_ =	shalt  }
0x5e: {  	_ =	shalt  }
0x5f: {  	_ =	shalt  }
0x60: {  	_ =	shalt  }
0x61: {  	_ =	shalt  }
0x62: {  	_ =	shalt  }
0x63: {  	_ =	shalt  }
0x64: {  	_ =	shalt  }
0x65: {  	_ =	shalt  }
0x66: {  	_ =	shalt  }
0x67: {  	_ =	shalt  }
0x68: {  	_ =	shalt  }
0x69: {  	_ =	shalt  }
0x6a: {  	_ =	shalt  }
0x6b: {  	_ =	shalt  }
0x6c: {  	_ =	shalt  }
0x6d: {  	_ =	shalt  }
0x6e: {  	_ =	shalt  }
0x6f: {  	_ =	shalt  }
0x70: {  	_ =	shalt  }
0x71: {  	_ =	shalt  }
0x72: {  	_ =	shalt  }
0x73: {  	_ =	shalt  }
0x74: {  	_ =	shalt  }
0x75: {  	_ =	shalt  }
0x76: {  	_ =	shalt  }
0x77: {  	_ =	shalt  }
0x78: {  	_ =	shalt  }
0x79: {  	_ =	shalt  }
0x7a: {  	_ =	shalt  }
0x7b: {  	_ =	shalt  }
0x7c: {  	_ =	shalt  }
0x7d: {  	_ =	shalt  }
0x7e: {  	_ =	shalt  }
0x7f: {  	_ =	shalt  }
0x80: {  	_ =	shalt  }
0x81: {  	_ =	shalt  }
0x82: {  	_ =	shalt  }
0x83: {  	_ =	shalt  }
0x84: {  	_ =	shalt  }
0x85: {  	_ =	shalt  }
0x86: {  	_ =	shalt  }
0x87: {  	_ =	shalt  }
.Lfunc_end0:
.L_simem_size_0:
called_computation_lowered:
.L_overlay_start_0:
0x88: {  	s0 =	sld [smem:$0x3FD9]  }
0x89: {  	s1 =	sld [smem:$0x3FFE];
	_ =	sdelay $0x3  }
0x8a: {  	s0 =	sadd.s32 s1, s0  }
0x8b: {  	[smem:$0x3FC3] =	sst s0  }
0x8c: {  	_ = 	snop  }
0x8d: {  	s0 =	sld [smem:$0x3FC7]  }
0x8e: {  	s16 =	sld [smem:$0x3FC6]  }
0x8f: {  	s2 =	sld [smem:$0x3FC5];
	(tm) =	ssettm $0x1  }
0x90: {  	s3 =	sld [smem:$0x3FFB];
	_ =	sdelay $0x3  }
0x91: {  	_ =	strace s3  }
0x92: {  	s3 =	sld [smem:$0x3FFC];
	_ =	sdelay $0x3  }
0x93: {  	_ =	strace s3  }
0x94: {  	s3 =	sld [smem:$0x3FFD];
	_ =	sdelay $0x3  }
0x95: {  	_ =	strace s3  }
0x96: {  	_ =	strace $0x8FFFFFFF  }
0x97: {  	s17 =	sld [smem:$0x3FDB];
	_ =	sdelay $0x1  }
0x98: {  	s4 =	simm.s32 $_scs_section_size  }
0x99: {  	s5 =	simm.s32 $_size__tile_overlayer_lowered;
	s6 =	simm.s32 $_tile_overlayer_lowered  }
0x9a: {  	s20 =	simm.s32 $0x1BFF;
	s19 =	sshll.u32 s6, $0x1;
	s3 =	sadd.s32 s4, s17  }
0x9b: {  	s7 =	simm.s32 $0x0;
	s18 =	sshll.u32 s5, $0x1;
	s5 =	sadd.s32 s19, s3  }
0x9c: {  	[timem:s7], [sflag:s20] =	dma.local [hbm:s5], s18  }
0x9d: {  	_ =	swait.ge [sflag:s20], s18  }
0x9e: {  	s4 =	ssub.s32 $0x0, s18;
	[sflag:s20] =	ssyncset.done $0x0  }
0x9f: {  	[sflag:s20] =	ssyncadd.s32 s4;
	_ =	sdelay $0x1  }
0xa0: {  	s21 =	simm.s32 $0x1B8B  }
0xa1: {  	_ =	swait.ge [sflag:s21], $0x1  }
0xa2: {  	[sflag:s21] =	ssyncset.done $0x0  }
0xa3: {  	s23 =	simm.s32 $0x1B8E;
	s22 =	sld [smem:$0x3FFE];
	[sflag:s21] =	ssyncadd.s32 $0xFFFFFFFF  }
0xa4: {  	s24 =	simm.s32 $execute0_lowered;
	[smem:$0x3FD2] =	sst s23  }
0xa5: {  	s5 =	sshll.u32 s24, $0x1;
	_ =	strace $0x80000046;
	[dreg:$0x1] =	wrdreg $0xFFFFFFFF  }
0xa6: {  	s25 =	simm.s32 $_size_execute0_lowered;
	s3 =	sadd.s32 s3, s5;
	[dreg:$0x0] =	wrdreg $0x0  }
0xa7: {  	s5 =	sshll.u32 s25, $0x1;
	[dreg:$0x2] =	wrdreg s3  }
0xa8: {  	[dreg:$0x3] =	wrdreg s5  }
0xa9: {  	[dreg:$0x4] =	wrdreg $0xC0  }
0xaa: {  	_ =	task [dreg:s7], $0x5FFFF  }
0xab: {  	[dreg:$0x1] =	wrdreg $0xFFFFFFFF  }
0xac: {  	[dreg:$0x0] =	wrdreg $0x60  }
0xad: {  	[dreg:$0x2] =	wrdreg s0  }
0xae: {  	[dreg:$0x3] =	wrdreg s16  }
0xaf: {  	[dreg:$0x4] =	wrdreg s2  }
0xb0: {  	[dreg:$0x5] =	wrdreg s22  }
0xb1: {  	[dreg:$0x6] =	wrdreg $0x9  }
0xb2: {  	_ =	task.clear_ibuf [dreg:s7], $0x7FFFF;
	_ =	strace $0x90000046  }
0xb3: {  	s26 =	simm.s32 $0x9;
	_ =	strace $0x80000048  }
0xb4: {  	_ =	swait.ge [sflag:s26], $0x1  }
0xb5: {  	[sflag:s26] =	ssyncadd.s32 $0xFFFFFFFF  }
0xb6: {  	_ =	strace $0x90000048  }
0xb7: {  	_ =	sfence  }
0xb8: {  	s28 =	sld [smem:$0x0];
	_ =	sdelay $0x1  }
0xb9: {  	s29 =	srdreg.scid  }
0xba: {  	s30 =	sshll.u32 s29, $0xD;
	s31 =	sshrl.u32 s29, $0x2  }
0xbb: {  	s1 =	sand.u32 $0x1, s29;
	s2 =	sand.u32 $0x4000, s30;
	s0 =	sadd.s32 s31, s28  }
0xbc: {  	s1 =	sor.u32 s2, s1;
	s0 =	sshll.u32 s0, $0x11  }
0xbd: {  	s0 =	sor.u32 s0, s1  }
0xbe: {  	s0 =	sadd.s32 $0x8F2B, s0  }
0xbf: {  	[sflag:s0] =	ssyncadd.remote.s32 $0x1  }
0xc0: {  	_ =	sfence.sel $0xFFFF  }
0xc1: {  	[dreg:$0x0] =	wrdreg $0xFFFFFFFF;
	(pc) =	sbr.abs _section_cstart, $3  }
0xc2: {  	[dreg:$0x1] =	wrdreg $0xFFFFFFFF  }
0xc3: {  	_ =	task.clear_ibuf [dreg:s7], $0x2FFFF;
	_ =	strace $0x9FFFFFFF  }
0xc4: {  	(tm) =	ssettm $0x7FFFFFFF  }
0xc5: {  	_ =	shalt  }
tec
execute0_lowered:
.L_overlay_start_1:
0x0: {  	(tag) =	ssettag $0x1  }
0x1: {  	s0 =	rddreg [dreg:$0x0]  }
0x2: {  	s1 =	rddreg [dreg:$0x1]  }
0x3: {  	s2 =	rddreg [dreg:$0x2]  }
0x4: {  	s3 =	rddreg [dreg:$0x3]  }
0x5: {  	s4 =	rddreg [dreg:$0x4];
	s5 =	simm.s32 $0x0;
	s6 =	stileid.u32  }
0x6: {  	[smem:$0x7FF] =	sst s5;
	s7 =	sshll.u32 s6, $0x1  }
0x7: {  	s26 =	simm.s32 $0x3;
	_ =	strace $0x80000047;
	s0 =	sadd.s32 s0, s7  }
0x8: {  	[tilespmem:s5], [sflag:$0x3] =	stream.linear.gather [hbm4b:s0+s5], $0x10, $0x38;
	[tilespmem:$0x180] =	vst v63  }
0x9: {  	_ =	swait.ge [sflag:s26], $0x10  }
0xa: {  	[sflag:s26] =	ssyncset.done $0x0  }
0xb: {  	s8 =	simm.s32 $0x10;
	s9 =	simm.s32 $0x80;
	[sflag:s26] =	ssyncadd.s32 $0xFFFFFFF0  }
0xc: {  	[tilespmem:s9], [sflag:$0x1] =	stream.indirect.gather [hbm4b:s1+s8], $0x1, s5, s8, $0xb8;
	[tilespmem:$0x180] =	vst v63  }
0xd: {  	s28 =	simm.s32 $0x100;
	s29 =	simm.s32 $0x1  }
0xe: {  	[tilespmem:s28], [sflag:$0x2] =	stream.indirect.gather [hbm4b:s2+s8], $0x1, s5, s8, $0xb8;
	[tilespmem:$0x180] =	vst v63  }
0xf: {  	_ =	swait.ge [sflag:s29], $0x10  }
0x10: {  	[sflag:s29] =	ssyncset.done $0x0  }
0x11: {  	s30 =	simm.s32 $0x2;
	[sflag:s29] =	ssyncadd.s32 $0xFFFFFFF0  }
0x12: {  	_ =	swait.ge [sflag:s30], $0x10  }
0x13: {  	s3 =	sadd.s32 s7, s3;
	[sflag:s30] =	ssyncset.done $0x0  }
0x14: {  	s7 =	sadd.s32 $0x1200, s3;
	[sflag:s30] =	ssyncadd.s32 $0xFFFFFFF0  }
0x15: {  	[hbm4b:s7+s5] =	stream.linear.scatter [tilespmem:s9], [sflag:$0x3], $0x10, $0x38;
	[tilespmem:$0x180] =	vst v63  }
0x16: {  	_ =	swait.ge [sflag:s26], $0x10  }
0x17: {  	[sflag:s26] =	ssyncset.done $0x0  }
0x18: {  	s31 =	sadd.s32 $0x1400, s3;
	[sflag:s26] =	ssyncadd.s32 $0xFFFFFFF0  }
0x19: {  	[hbm4b:s31+s5] =	stream.linear.scatter [tilespmem:s28], [sflag:$0x3], $0x10, $0x38;
	[tilespmem:$0x180] =	vst v63  }
0x1a: {  	_ =	swait.ge [sflag:s26], $0x10  }
0x1b: {  	[sflag:s26] =	ssyncset.done $0x0  }
0x1c: {  	[sflag:s26] =	ssyncadd.s32 $0xFFFFFFF0  }
0x1d: {  	_ =	sfence.sel $0x180000  }
0x1e: {  	[bflag:$0x0] =	sbarrier.arrive $0xFFFF  }
0x1f: {  	p0 =	sne.s32 s6, $0x0;
	_ =	strace $0x90000047  }
0x20: {  	s0 =	sadd.s32 @!p0 $0x100000, s4;
	[bflag:$0x2] =	sbarrier.arrive $0xFFFF  }
0x21: {  	[sflag:s0] =	ssyncadd.tile.s32 @!p0 $0x1;
	_ =	shalt  }
.Lfunc_end2:
_tile_overlayer_lowered:
.L_overlay_start_2:
0x22: {  	(tag) =	ssettag $0x2  }
0x23: {  	s0 =	rddreg [dreg:$0x0];
	s2 =	stileid.u32  }
0x24: {  	s1 =	rddreg [dreg:$0x1];
	p0 =	sne.s32 s2, $0x0  }
0x25: {  	s3 =	rddreg [dreg:$0x2];
	[bflag:$0x3] =	sbarrier.arrive $0xFFFF;
	s2 =	simm.s32 @!p0 $0x1C03  }
0x26: {  	[timem:s3], [sflag:s2] =	dma.local @!p0 [hbm:s0], s1  }
0x27: {  	s0 =	simm.s32 @!p0 $0x3  }
0x28: {  	_ =	swait.ge @!p0 [sflag:s0], s1  }
0x29: {  	s1 =	ssub.s32 @!p0 $0x0, s1;
	[sflag:s0] =	ssyncset.done @!p0 $0x0  }
0x2a: {  	[sflag:s0] =	ssyncadd.s32 @!p0 s1  }
0x2b: {  	[bflag:$0x3] =	sbarrier.arrive $0xFFFF  }
0x2c: {  	_ =	shalt  }

</sc_bundles>
